<compile_context>
chip_gen: v7x
topology: tpu7x:2x2x1
jax: 0.10.2.dev20260603
libtpu: 0.0.44.dev20260713+nightly
codegen_flags: <defaults>
</compile_context>

<pallas_src>
import jax
import jax.numpy as jnp
from jax import lax
from jax.experimental import pallas as pl
from jax.experimental.pallas import tpu as pltpu
from jax.experimental.pallas import tpu_sc as plsc

CHARGE_DIM = 128
BATCH = 16
TOTAL_NODES = 32768

NUM_CORES = 2
NUM_SUBCORES = 16
LANES = 16
NUM_WORKERS = NUM_CORES * NUM_SUBCORES
ROWS_PER_WORKER = TOTAL_NODES // NUM_WORKERS
HEAD_ROWS = 16
CHUNK_ROWS = 112
NUM_CHUNKS = (ROWS_PER_WORKER - HEAD_ROWS) // CHUNK_ROWS
assert HEAD_ROWS + NUM_CHUNKS * CHUNK_ROWS == ROWS_PER_WORKER
COLS = CHARGE_DIM // LANES
CHUNK_ELEMS = CHUNK_ROWS * CHARGE_DIM


def _sc_body(charge_hbm, seg_hbm, out_hbm, charge_v, seg_v, bufh, buf,
             semc, sems_, semh, sem):
    wid = lax.axis_index("s") * NUM_CORES + lax.axis_index("c")
    base = wid * ROWS_PER_WORKER

    in0 = pltpu.async_copy(charge_hbm, charge_v, semc)
    in1 = pltpu.async_copy(seg_hbm.at[pl.ds(base, ROWS_PER_WORKER)],
                           seg_v.at[pl.ds(0, ROWS_PER_WORKER)], sems_)
    in0.wait()
    in1.wait()

    charge_reg = charge_v[...]
    zeros16 = jnp.zeros((LANES,), jnp.int32)

    def fast_fill(buf_, off, cval, rows):
        row = jnp.full((LANES,), cval, dtype=jnp.float32)

        def body(i, _):
            for j in range(COLS):
                buf_[pl.ds(off + i * CHARGE_DIM + j * LANES, LANES)] = row
            return ()

        lax.fori_loop(0, rows, body, (), unroll=4)

    def perrow_fill(buf_, off, row0, rows):
        def body(i, _):
            sv = seg_v[pl.ds(row0 + i, LANES)]
            sid = sv.at[zeros16].get(mode="promise_in_bounds")
            row = charge_reg.at[sid].get(mode="promise_in_bounds")
            for j in range(COLS):
                buf_[pl.ds(off + i * CHARGE_DIM + j * LANES, LANES)] = row
            return ()

        lax.fori_loop(0, rows, body, (), unroll=2)

    svh = seg_v[pl.ds(0, LANES)]
    uniform_h = svh[0] == svh[LANES - 1]
    cval_h = charge_reg.at[svh].get(mode="promise_in_bounds")[0]

    @pl.when(uniform_h)
    def _():
        fast_fill(bufh, 0, cval_h, HEAD_ROWS)

    @pl.when(jnp.logical_not(uniform_h))
    def _():
        perrow_fill(bufh, 0, 0, HEAD_ROWS)

    head_copy = pltpu.async_copy(
        bufh, out_hbm.at[pl.ds(base * CHARGE_DIM, HEAD_ROWS * CHARGE_DIM)],
        semh)

    def chunk_body(c, carry):
        valid0, val0, valid1, val1 = carry
        row0 = HEAD_ROWS + c * CHUNK_ROWS
        par = lax.rem(c, 2)
        par0 = par == 0
        off = par * CHUNK_ELEMS
        sv0 = seg_v[pl.ds(row0, LANES)]
        svl = seg_v[pl.ds(row0 + CHUNK_ROWS - LANES, LANES)]
        uniform = sv0[0] == svl[LANES - 1]
        cval = charge_reg.at[sv0].get(mode="promise_in_bounds")[0]
        same = jnp.where(par0, valid0 & (cval == val0),
                         valid1 & (cval == val1))

        @pl.when(c >= 2)
        def _():
            pltpu.make_async_copy(
                out_hbm.at[pl.ds(0, CHUNK_ELEMS)],
                buf.at[pl.ds(off, CHUNK_ELEMS)], sem.at[par]).wait()

        @pl.when(uniform & jnp.logical_not(same))
        def _():
            fast_fill(buf, off, cval, CHUNK_ROWS)

        @pl.when(jnp.logical_not(uniform))
        def _():
            perrow_fill(buf, off, row0, CHUNK_ROWS)

        pltpu.async_copy(
            buf.at[pl.ds(off, CHUNK_ELEMS)],
            out_hbm.at[pl.ds((base + row0) * CHARGE_DIM, CHUNK_ELEMS)],
            sem.at[par])

        valid0 = jnp.where(par0, uniform, valid0)
        val0 = jnp.where(par0, cval, val0)
        valid1 = jnp.where(par0, valid1, uniform)
        val1 = jnp.where(par0, val1, cval)
        return valid0, val0, valid1, val1

    lax.fori_loop(0, NUM_CHUNKS, chunk_body,
                  (jnp.bool_(False), jnp.float32(0.0),
                   jnp.bool_(False), jnp.float32(0.0)))

    pltpu.make_async_copy(
        out_hbm.at[pl.ds(0, CHUNK_ELEMS)],
        buf.at[pl.ds(0, CHUNK_ELEMS)], sem.at[0]).wait()
    pltpu.make_async_copy(
        out_hbm.at[pl.ds(0, CHUNK_ELEMS)],
        buf.at[pl.ds(CHUNK_ELEMS, CHUNK_ELEMS)], sem.at[1]).wait()
    head_copy.wait()


_sc_kernel = pl.kernel(
    _sc_body,
    out_type=jax.ShapeDtypeStruct((TOTAL_NODES * CHARGE_DIM,), jnp.float32),
    mesh=plsc.VectorSubcoreMesh(core_axis_name="c", subcore_axis_name="s"),
    scratch_types=[
        pltpu.VMEM((BATCH,), jnp.float32),
        pltpu.VMEM((ROWS_PER_WORKER + LANES,), jnp.int32),
        pltpu.VMEM((HEAD_ROWS * CHARGE_DIM,), jnp.float32),
        pltpu.VMEM((2 * CHUNK_ELEMS,), jnp.float32),
        pltpu.SemaphoreType.DMA,
        pltpu.SemaphoreType.DMA,
        pltpu.SemaphoreType.DMA,
        pltpu.SemaphoreType.DMA((2,)),
    ],
)


def kernel(charge, segment_ids):
    seg = segment_ids.astype(jnp.int32)
    out = _sc_kernel(charge.astype(jnp.float32), seg)
    return out.reshape(TOTAL_NODES, CHARGE_DIM)

# --- scband reference (transcript-rebuilt; emitter-appended) ---
"""Pipeline reference for scband-input-glycan-charge-56049323213763 (READ-ONLY COPY).

The authoritative reference and input builder live on the scoring server;
editing this copy changes nothing except your own understanding.
"""

import jax, jax.numpy as jnp
import numpy as np

CHARGE_DIM = 128
BATCH = 16
TOTAL_NODES = 32768


def setup_inputs(seed: int = 0) -> dict:
    key = jax.random.key(seed)
    k1, k2 = jax.random.split(key)
    # per-sample precursor charge (one scalar per glycopeptide in the batch)
    charge = jax.random.uniform(k1, (BATCH,), dtype=jnp.float32)
    # sorted node->sample assignment; run-lengths play the role of
    # glycan_graph.batch_num_nodes('monosaccharide')
    segment_ids = jnp.sort(jax.random.randint(k2, (TOTAL_NODES,), 0, BATCH, dtype=jnp.int64))
    return {"charge": charge, "segment_ids": segment_ids}


def reference(charge, segment_ids):
    # Original: torch.concat([charge[i].tile(num_i, charge_dim) for i, num_i in
    #           enumerate(batch_num_nodes)], dim=0)
    # Equivalent ragged form: gather each node's sample charge, then tile it
    # across charge_dim columns -> [total_nodes, charge_dim].
    gathered = jnp.take(charge, segment_ids, axis=0)          # [total_nodes]
    ch = jnp.tile(gathered[:, None], (1, CHARGE_DIM))          # [total_nodes, charge_dim]
    return ch

if __name__ == "__main__":
    import jax
    _d = setup_inputs()
    print(jax.jit(kernel)(*tuple(_d.values())))

</pallas_src>

<mosaic_0001>
#map = affine_map<(d0, d1) -> (0)>
module attributes {stable_mosaic.version = 14 : i64} {
  func.func @_sc_body(%arg0: i32, %arg1: i32, %arg2: memref<16xf32, #tpu.memory_space<hbm>>, %arg3: memref<32768xi32, #tpu.memory_space<hbm>>, %arg4: memref<4194304xf32, #tpu.memory_space<hbm>>, %arg5: memref<16xf32, #tpu.memory_space<vmem>>, %arg6: memref<1040xi32, #tpu.memory_space<vmem>>, %arg7: memref<2048xf32, #tpu.memory_space<vmem>>, %arg8: memref<28672xf32, #tpu.memory_space<vmem>>, %arg9: memref<!tpu.dma_semaphore, #tpu.memory_space<semaphore_mem>>, %arg10: memref<!tpu.dma_semaphore, #tpu.memory_space<semaphore_mem>>, %arg11: memref<!tpu.dma_semaphore, #tpu.memory_space<semaphore_mem>>, %arg12: memref<2x!tpu.dma_semaphore, #tpu.memory_space<semaphore_mem>>) attributes {dimension_semantics = [#tpu.dimension_semantics<core_parallel>, #tpu.dimension_semantics<subcore_parallel>], iteration_bounds = array<i64: 2, 16>, scalar_prefetch = 0 : i64, scratch_operands = 8 : i64, tpu.core_type = #tpu.core_type<sc_vector_subcore>, window_params = [{transform_indices = #map}, {transform_indices = #map}, {transform_indices = #map}]} {
    %mul3A = arith.constant 2 : i32
    %mul3A_0 = arith.muli %arg1, %mul3A : i32
    %add3A = arith.addi %mul3A_0, %arg0 : i32
    %mul3A_1 = arith.constant 1024 : i32
    %mul3A_2 = arith.muli %add3A, %mul3A_1 : i32
    tpu.enqueue_dma source(%arg2 : memref<16xf32, #tpu.memory_space<hbm>>) target(%arg5 : memref<16xf32, #tpu.memory_space<vmem>>) target_semaphore(%arg9 : memref<!tpu.dma_semaphore, #tpu.memory_space<semaphore_mem>>)
    %dma_start3A = arith.constant 0 : i32
    %dma_start3A_3 = tpu.memref_slice %arg6[%dma_start3A] : memref<1040xi32, #tpu.memory_space<vmem>> -> memref<1024xi32, #tpu.memory_space<vmem>>
    %dma_start3A_4 = tpu.memref_slice %arg3[%mul3A_2] : memref<32768xi32, #tpu.memory_space<hbm>> -> memref<1024xi32, #tpu.memory_space<hbm>>
    %dma_start3A_5 = arith.constant 0 : i32
    %dma_start3A_6 = tpu.memref_slice %arg6[%dma_start3A_5] : memref<1040xi32, #tpu.memory_space<vmem>> -> memref<1024xi32, #tpu.memory_space<vmem>>
    %dma_start3A_7 = tpu.memref_slice %arg3[%mul3A_2] : memref<32768xi32, #tpu.memory_space<hbm>> -> memref<1024xi32, #tpu.memory_space<hbm>>
    tpu.enqueue_dma source(%dma_start3A_7 : memref<1024xi32, #tpu.memory_space<hbm>>) target(%dma_start3A_6 : memref<1024xi32, #tpu.memory_space<vmem>>) target_semaphore(%arg10 : memref<!tpu.dma_semaphore, #tpu.memory_space<semaphore_mem>>)
    tpu.wait_dma2 semaphore(%arg9 : memref<!tpu.dma_semaphore, #tpu.memory_space<semaphore_mem>>) src(%arg2 : memref<16xf32, #tpu.memory_space<hbm>>) dst(%arg5 : memref<16xf32, #tpu.memory_space<vmem>>)
    %dma_wait3A = arith.constant 0 : i32
    %dma_wait3A_8 = tpu.memref_slice %arg6[%dma_wait3A] : memref<1040xi32, #tpu.memory_space<vmem>> -> memref<1024xi32, #tpu.memory_space<vmem>>
    %dma_wait3A_9 = tpu.memref_slice %arg3[%mul3A_2] : memref<32768xi32, #tpu.memory_space<hbm>> -> memref<1024xi32, #tpu.memory_space<hbm>>
    %dma_wait3A_10 = arith.constant 0 : i32
    %dma_wait3A_11 = tpu.memref_slice %arg6[%dma_wait3A_10] : memref<1040xi32, #tpu.memory_space<vmem>> -> memref<1024xi32, #tpu.memory_space<vmem>>
    %dma_wait3A_12 = tpu.memref_slice %arg3[%mul3A_2] : memref<32768xi32, #tpu.memory_space<hbm>> -> memref<1024xi32, #tpu.memory_space<hbm>>
    tpu.wait_dma2 semaphore(%arg10 : memref<!tpu.dma_semaphore, #tpu.memory_space<semaphore_mem>>) src(%dma_wait3A_12 : memref<1024xi32, #tpu.memory_space<hbm>>) dst(%dma_wait3A_11 : memref<1024xi32, #tpu.memory_space<vmem>>)
    %get3A = arith.constant 0 : index
    %get3A_13 = tpu.vector_load %arg5[%get3A] {strides = array<i32>} : memref<16xf32, #tpu.memory_space<vmem>>, vector<16xf32>,
    %get3A_14 = vector.shape_cast %get3A_13 : vector<16xf32> to vector<16xf32>
    %broadcast_in_dim3A = arith.constant 0 : i32
    %broadcast_in_dim3A_15 = vector.broadcast %broadcast_in_dim3A : i32 to vector<16xi32>
    %get3A_16 = arith.constant 0 : index
    %get3A_17 = tpu.vector_load %arg6[%get3A_16] {strides = array<i32>} : memref<1040xi32, #tpu.memory_space<vmem>>, vector<16xi32>,
    %get3A_18 = vector.shape_cast %get3A_17 : vector<16xi32> to vector<16xi32>
    %slice3A = vector.extract_strided_slice %get3A_18 {offsets = [0], sizes = [1], strides = [1]} : vector<16xi32> to vector<1xi32>
    %squeeze3A = vector.extract %slice3A[0] : i32 from vector<1xi32>
    %slice3A_19 = vector.extract_strided_slice %get3A_18 {offsets = [15], sizes = [1], strides = [1]} : vector<16xi32> to vector<1xi32>
    %squeeze3A_20 = vector.extract %slice3A_19[0] : i32 from vector<1xi32>
    %eq3A = arith.cmpi eq, %squeeze3A, %squeeze3A_20 : i32
    %lt3A = arith.constant 0 : i32
    %lt3A_21 = vector.broadcast %lt3A : i32 to vector<16xi32>
    %lt3A_22 = arith.cmpi slt, %get3A_18, %lt3A_21 : vector<16xi32>
    %add3A_23 = arith.constant 16 : i32
    %add3A_24 = vector.broadcast %add3A_23 : i32 to vector<16xi32>
    %add3A_25 = arith.addi %get3A_18, %add3A_24 : vector<16xi32>
    %select_n3A = arith.select %lt3A_22, %add3A_25, %get3A_18 : vector<16xi1>, vector<16xi32>
    %broadcast_in_dim3A_26 = vector.shape_cast %select_n3A : vector<16xi32> to vector<16x1xi32>
    %gather3A = vector.shape_cast %broadcast_in_dim3A_26 : vector<16x1xi32> to vector<16xi32>
    %gather3A_27 = tpu.dynamic_gather %get3A_14[%gather3A] in [0] : vector<16xf32>, vector<16xi32> -> vector<16xf32>
    %slice3A_28 = vector.extract_strided_slice %gather3A_27 {offsets = [0], sizes = [1], strides = [1]} : vector<16xf32> to vector<1xf32>
    %squeeze3A_29 = vector.extract %slice3A_28[0] : f32 from vector<1xf32>
    %convert_element_type3A = arith.extui %eq3A : i1 to i32
    %cond3A = arith.constant 0 : i32
    %cond3A_30 = arith.cmpi ne, %convert_element_type3A, %cond3A : i32
    scf.if %cond3A_30 {
      %broadcast_in_dim3A_72 = vector.broadcast %squeeze3A_29 : f32 to vector<16xf32>
      %scan3A_73 = arith.constant 0 : i32
      %scan3A_74 = arith.constant 16 : i32
      %scan3A_75 = arith.addi %scan3A_73, %scan3A_74 : i32
      %scan3A_76 = arith.constant 4 : i32
      scf.for %scan3A_78 = %scan3A_73 to %scan3A_75 step %scan3A_76  : i32 {
        %mul3A_79 = arith.constant 128 : i32
        %mul3A_80 = arith.muli %scan3A_78, %mul3A_79 : i32
        %add3A_81 = arith.constant 0 : i32
        %add3A_82 = arith.addi %add3A_81, %mul3A_80 : i32
        %add3A_83 = arith.constant 0 : i32
        %add3A_84 = arith.addi %add3A_82, %add3A_83 : i32
        %swap3A = arith.index_cast %add3A_84 : i32 to index
        %swap3A_85 = tpu.vector_load %arg7[%swap3A] {strides = array<i32>} : memref<2048xf32, #tpu.memory_space<vmem>>, vector<16xf32>,
        %swap3A_86 = vector.shape_cast %swap3A_85 : vector<16xf32> to vector<16xf32>
        %swap3A_87 = vector.shape_cast %broadcast_in_dim3A_72 : vector<16xf32> to vector<16xf32>
        tpu.vector_store %arg7[%swap3A], %swap3A_87 {strides = array<i32>} : memref<2048xf32, #tpu.memory_space<vmem>>, vector<16xf32>,
        %mul3A_88 = arith.constant 128 : i32
        %mul3A_89 = arith.muli %scan3A_78, %mul3A_88 : i32
        %add3A_90 = arith.constant 0 : i32
        %add3A_91 = arith.addi %add3A_90, %mul3A_89 : i32
        %add3A_92 = arith.constant 16 : i32
        %add3A_93 = arith.addi %add3A_91, %add3A_92 : i32
        %swap3A_94 = arith.index_cast %add3A_93 : i32 to index
        %swap3A_95 = tpu.vector_load %arg7[%swap3A_94] {strides = array<i32>} : memref<2048xf32, #tpu.memory_space<vmem>>, vector<16xf32>,
        %swap3A_96 = vector.shape_cast %swap3A_95 : vector<16xf32> to vector<16xf32>
        %swap3A_97 = vector.shape_cast %broadcast_in_dim3A_72 : vector<16xf32> to vector<16xf32>
        tpu.vector_store %arg7[%swap3A_94], %swap3A_97 {strides = array<i32>} : memref<2048xf32, #tpu.memory_space<vmem>>, vector<16xf32>,
        %mul3A_98 = arith.constant 128 : i32
        %mul3A_99 = arith.muli %scan3A_78, %mul3A_98 : i32
        %add3A_100 = arith.constant 0 : i32
        %add3A_101 = arith.addi %add3A_100, %mul3A_99 : i32
        %add3A_102 = arith.constant 32 : i32
        %add3A_103 = arith.addi %add3A_101, %add3A_102 : i32
        %swap3A_104 = arith.index_cast %add3A_103 : i32 to index
        %swap3A_105 = tpu.vector_load %arg7[%swap3A_104] {strides = array<i32>} : memref<2048xf32, #tpu.memory_space<vmem>>, vector<16xf32>,
        %swap3A_106 = vector.shape_cast %swap3A_105 : vector<16xf32> to vector<16xf32>
        %swap3A_107 = vector.shape_cast %broadcast_in_dim3A_72 : vector<16xf32> to vector<16xf32>
        tpu.vector_store %arg7[%swap3A_104], %swap3A_107 {strides = array<i32>} : memref<2048xf32, #tpu.memory_space<vmem>>, vector<16xf32>,
        %mul3A_108 = arith.constant 128 : i32
        %mul3A_109 = arith.muli %scan3A_78, %mul3A_108 : i32
        %add3A_110 = arith.constant 0 : i32
        %add3A_111 = arith.addi %add3A_110, %mul3A_109 : i32
        %add3A_112 = arith.constant 48 : i32
        %add3A_113 = arith.addi %add3A_111, %add3A_112 : i32
        %swap3A_114 = arith.index_cast %add3A_113 : i32 to index
        %swap3A_115 = tpu.vector_load %arg7[%swap3A_114] {strides = array<i32>} : memref<2048xf32, #tpu.memory_space<vmem>>, vector<16xf32>,
        %swap3A_116 = vector.shape_cast %swap3A_115 : vector<16xf32> to vector<16xf32>
        %swap3A_117 = vector.shape_cast %broadcast_in_dim3A_72 : vector<16xf32> to vector<16xf32>
        tpu.vector_store %arg7[%swap3A_114], %swap3A_117 {strides = array<i32>} : memref<2048xf32, #tpu.memory_space<vmem>>, vector<16xf32>,
        %mul3A_118 = arith.constant 128 : i32
        %mul3A_119 = arith.muli %scan3A_78, %mul3A_118 : i32
        %add3A_120 = arith.constant 0 : i32
        %add3A_121 = arith.addi %add3A_120, %mul3A_119 : i32
        %add3A_122 = arith.constant 64 : i32
        %add3A_123 = arith.addi %add3A_121, %add3A_122 : i32
        %swap3A_124 = arith.index_cast %add3A_123 : i32 to index
        %swap3A_125 = tpu.vector_load %arg7[%swap3A_124] {strides = array<i32>} : memref<2048xf32, #tpu.memory_space<vmem>>, vector<16xf32>,
        %swap3A_126 = vector.shape_cast %swap3A_125 : vector<16xf32> to vector<16xf32>
        %swap3A_127 = vector.shape_cast %broadcast_in_dim3A_72 : vector<16xf32> to vector<16xf32>
        tpu.vector_store %arg7[%swap3A_124], %swap3A_127 {strides = array<i32>} : memref<2048xf32, #tpu.memory_space<vmem>>, vector<16xf32>,
        %mul3A_128 = arith.constant 128 : i32
        %mul3A_129 = arith.muli %scan3A_78, %mul3A_128 : i32
        %add3A_130 = arith.constant 0 : i32
        %add3A_131 = arith.addi %add3A_130, %mul3A_129 : i32
        %add3A_132 = arith.constant 80 : i32
        %add3A_133 = arith.addi %add3A_131, %add3A_132 : i32
        %swap3A_134 = arith.index_cast %add3A_133 : i32 to index
        %swap3A_135 = tpu.vector_load %arg7[%swap3A_134] {strides = array<i32>} : memref<2048xf32, #tpu.memory_space<vmem>>, vector<16xf32>,
        %swap3A_136 = vector.shape_cast %swap3A_135 : vector<16xf32> to vector<16xf32>
        %swap3A_137 = vector.shape_cast %broadcast_in_dim3A_72 : vector<16xf32> to vector<16xf32>
        tpu.vector_store %arg7[%swap3A_134], %swap3A_137 {strides = array<i32>} : memref<2048xf32, #tpu.memory_space<vmem>>, vector<16xf32>,
        %mul3A_138 = arith.constant 128 : i32
        %mul3A_139 = arith.muli %scan3A_78, %mul3A_138 : i32
        %add3A_140 = arith.constant 0 : i32
        %add3A_141 = arith.addi %add3A_140, %mul3A_139 : i32
        %add3A_142 = arith.constant 96 : i32
        %add3A_143 = arith.addi %add3A_141, %add3A_142 : i32
        %swap3A_144 = arith.index_cast %add3A_143 : i32 to index
        %swap3A_145 = tpu.vector_load %arg7[%swap3A_144] {strides = array<i32>} : memref<2048xf32, #tpu.memory_space<vmem>>, vector<16xf32>,
        %swap3A_146 = vector.shape_cast %swap3A_145 : vector<16xf32> to vector<16xf32>
        %swap3A_147 = vector.shape_cast %broadcast_in_dim3A_72 : vector<16xf32> to vector<16xf32>
        tpu.vector_store %arg7[%swap3A_144], %swap3A_147 {strides = array<i32>} : memref<2048xf32, #tpu.memory_space<vmem>>, vector<16xf32>,
        %mul3A_148 = arith.constant 128 : i32
        %mul3A_149 = arith.muli %scan3A_78, %mul3A_148 : i32
        %add3A_150 = arith.constant 0 : i32
        %add3A_151 = arith.addi %add3A_150, %mul3A_149 : i32
        %add3A_152 = arith.constant 112 : i32
        %add3A_153 = arith.addi %add3A_151, %add3A_152 : i32
        %swap3A_154 = arith.index_cast %add3A_153 : i32 to index
        %swap3A_155 = tpu.vector_load %arg7[%swap3A_154] {strides = array<i32>} : memref<2048xf32, #tpu.memory_space<vmem>>, vector<16xf32>,
        %swap3A_156 = vector.shape_cast %swap3A_155 : vector<16xf32> to vector<16xf32>
        %swap3A_157 = vector.shape_cast %broadcast_in_dim3A_72 : vector<16xf32> to vector<16xf32>
        tpu.vector_store %arg7[%swap3A_154], %swap3A_157 {strides = array<i32>} : memref<2048xf32, #tpu.memory_space<vmem>>, vector<16xf32>,
        %scan3A_158 = arith.constant 1 : i32
        %scan3A_159 = arith.addi %scan3A_78, %scan3A_158 : i32
        %mul3A_160 = arith.constant 128 : i32
        %mul3A_161 = arith.muli %scan3A_159, %mul3A_160 : i32
        %add3A_162 = arith.constant 0 : i32
        %add3A_163 = arith.addi %add3A_162, %mul3A_161 : i32
        %add3A_164 = arith.constant 0 : i32
        %add3A_165 = arith.addi %add3A_163, %add3A_164 : i32
        %swap3A_166 = arith.index_cast %add3A_165 : i32 to index
        %swap3A_167 = tpu.vector_load %arg7[%swap3A_166] {strides = array<i32>} : memref<2048xf32, #tpu.memory_space<vmem>>, vector<16xf32>,
        %swap3A_168 = vector.shape_cast %swap3A_167 : vector<16xf32> to vector<16xf32>
        %swap3A_169 = vector.shape_cast %broadcast_in_dim3A_72 : vector<16xf32> to vector<16xf32>
        tpu.vector_store %arg7[%swap3A_166], %swap3A_169 {strides = array<i32>} : memref<2048xf32, #tpu.memory_space<vmem>>, vector<16xf32>,
        %mul3A_170 = arith.constant 128 : i32
        %mul3A_171 = arith.muli %scan3A_159, %mul3A_170 : i32
        %add3A_172 = arith.constant 0 : i32
        %add3A_173 = arith.addi %add3A_172, %mul3A_171 : i32
        %add3A_174 = arith.constant 16 : i32
        %add3A_175 = arith.addi %add3A_173, %add3A_174 : i32
        %swap3A_176 = arith.index_cast %add3A_175 : i32 to index
        %swap3A_177 = tpu.vector_load %arg7[%swap3A_176] {strides = array<i32>} : memref<2048xf32, #tpu.memory_space<vmem>>, vector<16xf32>,
        %swap3A_178 = vector.shape_cast %swap3A_177 : vector<16xf32> to vector<16xf32>
        %swap3A_179 = vector.shape_cast %broadcast_in_dim3A_72 : vector<16xf32> to vector<16xf32>
        tpu.vector_store %arg7[%swap3A_176], %swap3A_179 {strides = array<i32>} : memref<2048xf32, #tpu.memory_space<vmem>>, vector<16xf32>,
        %mul3A_180 = arith.constant 128 : i32
        %mul3A_181 = arith.muli %scan3A_159, %mul3A_180 : i32
        %add3A_182 = arith.constant 0 : i32
        %add3A_183 = arith.addi %add3A_182, %mul3A_181 : i32
        %add3A_184 = arith.constant 32 : i32
        %add3A_185 = arith.addi %add3A_183, %add3A_184 : i32
        %swap3A_186 = arith.index_cast %add3A_185 : i32 to index
        %swap3A_187 = tpu.vector_load %arg7[%swap3A_186] {strides = array<i32>} : memref<2048xf32, #tpu.memory_space<vmem>>, vector<16xf32>,
        %swap3A_188 = vector.shape_cast %swap3A_187 : vector<16xf32> to vector<16xf32>
        %swap3A_189 = vector.shape_cast %broadcast_in_dim3A_72 : vector<16xf32> to vector<16xf32>
        tpu.vector_store %arg7[%swap3A_186], %swap3A_189 {strides = array<i32>} : memref<2048xf32, #tpu.memory_space<vmem>>, vector<16xf32>,
        %mul3A_190 = arith.constant 128 : i32
        %mul3A_191 = arith.muli %scan3A_159, %mul3A_190 : i32
        %add3A_192 = arith.constant 0 : i32
        %add3A_193 = arith.addi %add3A_192, %mul3A_191 : i32
        %add3A_194 = arith.constant 48 : i32
        %add3A_195 = arith.addi %add3A_193, %add3A_194 : i32
        %swap3A_196 = arith.index_cast %add3A_195 : i32 to index
        %swap3A_197 = tpu.vector_load %arg7[%swap3A_196] {strides = array<i32>} : memref<2048xf32, #tpu.memory_space<vmem>>, vector<16xf32>,
        %swap3A_198 = vector.shape_cast %swap3A_197 : vector<16xf32> to vector<16xf32>
        %swap3A_199 = vector.shape_cast %broadcast_in_dim3A_72 : vector<16xf32> to vector<16xf32>
        tpu.vector_store %arg7[%swap3A_196], %swap3A_199 {strides = array<i32>} : memref<2048xf32, #tpu.memory_space<vmem>>, vector<16xf32>,
        %mul3A_200 = arith.constant 128 : i32
        %mul3A_201 = arith.muli %scan3A_159, %mul3A_200 : i32
        %add3A_202 = arith.constant 0 : i32
        %add3A_203 = arith.addi %add3A_202, %mul3A_201 : i32
        %add3A_204 = arith.constant 64 : i32
        %add3A_205 = arith.addi %add3A_203, %add3A_204 : i32
        %swap3A_206 = arith.index_cast %add3A_205 : i32 to index
        %swap3A_207 = tpu.vector_load %arg7[%swap3A_206] {strides = array<i32>} : memref<2048xf32, #tpu.memory_space<vmem>>, vector<16xf32>,
        %swap3A_208 = vector.shape_cast %swap3A_207 : vector<16xf32> to vector<16xf32>
        %swap3A_209 = vector.shape_cast %broadcast_in_dim3A_72 : vector<16xf32> to vector<16xf32>
        tpu.vector_store %arg7[%swap3A_206], %swap3A_209 {strides = array<i32>} : memref<2048xf32, #tpu.memory_space<vmem>>, vector<16xf32>,
        %mul3A_210 = arith.constant 128 : i32
        %mul3A_211 = arith.muli %scan3A_159, %mul3A_210 : i32
        %add3A_212 = arith.constant 0 : i32
        %add3A_213 = arith.addi %add3A_212, %mul3A_211 : i32
        %add3A_214 = arith.constant 80 : i32
        %add3A_215 = arith.addi %add3A_213, %add3A_214 : i32
        %swap3A_216 = arith.index_cast %add3A_215 : i32 to index
        %swap3A_217 = tpu.vector_load %arg7[%swap3A_216] {strides = array<i32>} : memref<2048xf32, #tpu.memory_space<vmem>>, vector<16xf32>,
        %swap3A_218 = vector.shape_cast %swap3A_217 : vector<16xf32> to vector<16xf32>
        %swap3A_219 = vector.shape_cast %broadcast_in_dim3A_72 : vector<16xf32> to vector<16xf32>
        tpu.vector_store %arg7[%swap3A_216], %swap3A_219 {strides = array<i32>} : memref<2048xf32, #tpu.memory_space<vmem>>, vector<16xf32>,
        %mul3A_220 = arith.constant 128 : i32
        %mul3A_221 = arith.muli %scan3A_159, %mul3A_220 : i32
        %add3A_222 = arith.constant 0 : i32
        %add3A_223 = arith.addi %add3A_222, %mul3A_221 : i32
        %add3A_224 = arith.constant 96 : i32
        %add3A_225 = arith.addi %add3A_223, %add3A_224 : i32
        %swap3A_226 = arith.index_cast %add3A_225 : i32 to index
        %swap3A_227 = tpu.vector_load %arg7[%swap3A_226] {strides = array<i32>} : memref<2048xf32, #tpu.memory_space<vmem>>, vector<16xf32>,
        %swap3A_228 = vector.shape_cast %swap3A_227 : vector<16xf32> to vector<16xf32>
        %swap3A_229 = vector.shape_cast %broadcast_in_dim3A_72 : vector<16xf32> to vector<16xf32>
        tpu.vector_store %arg7[%swap3A_226], %swap3A_229 {strides = array<i32>} : memref<2048xf32, #tpu.memory_space<vmem>>, vector<16xf32>,
        %mul3A_230 = arith.constant 128 : i32
        %mul3A_231 = arith.muli %scan3A_159, %mul3A_230 : i32
        %add3A_232 = arith.constant 0 : i32
        %add3A_233 = arith.addi %add3A_232, %mul3A_231 : i32
        %add3A_234 = arith.constant 112 : i32
        %add3A_235 = arith.addi %add3A_233, %add3A_234 : i32
        %swap3A_236 = arith.index_cast %add3A_235 : i32 to index
        %swap3A_237 = tpu.vector_load %arg7[%swap3A_236] {strides = array<i32>} : memref<2048xf32, #tpu.memory_space<vmem>>, vector<16xf32>,
        %swap3A_238 = vector.shape_cast %swap3A_237 : vector<16xf32> to vector<16xf32>
        %swap3A_239 = vector.shape_cast %broadcast_in_dim3A_72 : vector<16xf32> to vector<16xf32>
        tpu.vector_store %arg7[%swap3A_236], %swap3A_239 {strides = array<i32>} : memref<2048xf32, #tpu.memory_space<vmem>>, vector<16xf32>,
        %scan3A_240 = arith.constant 2 : i32
        %scan3A_241 = arith.addi %scan3A_78, %scan3A_240 : i32
        %mul3A_242 = arith.constant 128 : i32
        %mul3A_243 = arith.muli %scan3A_241, %mul3A_242 : i32
        %add3A_244 = arith.constant 0 : i32
        %add3A_245 = arith.addi %add3A_244, %mul3A_243 : i32
        %add3A_246 = arith.constant 0 : i32
        %add3A_247 = arith.addi %add3A_245, %add3A_246 : i32
        %swap3A_248 = arith.index_cast %add3A_247 : i32 to index
        %swap3A_249 = tpu.vector_load %arg7[%swap3A_248] {strides = array<i32>} : memref<2048xf32, #tpu.memory_space<vmem>>, vector<16xf32>,
        %swap3A_250 = vector.shape_cast %swap3A_249 : vector<16xf32> to vector<16xf32>
        %swap3A_251 = vector.shape_cast %broadcast_in_dim3A_72 : vector<16xf32> to vector<16xf32>
        tpu.vector_store %arg7[%swap3A_248], %swap3A_251 {strides = array<i32>} : memref<2048xf32, #tpu.memory_space<vmem>>, vector<16xf32>,
        %mul3A_252 = arith.constant 128 : i32
        %mul3A_253 = arith.muli %scan3A_241, %mul3A_252 : i32
        %add3A_254 = arith.constant 0 : i32
        %add3A_255 = arith.addi %add3A_254, %mul3A_253 : i32
        %add3A_256 = arith.constant 16 : i32
        %add3A_257 = arith.addi %add3A_255, %add3A_256 : i32
        %swap3A_258 = arith.index_cast %add3A_257 : i32 to index
        %swap3A_259 = tpu.vector_load %arg7[%swap3A_258] {strides = array<i32>} : memref<2048xf32, #tpu.memory_space<vmem>>, vector<16xf32>,
        %swap3A_260 = vector.shape_cast %swap3A_259 : vector<16xf32> to vector<16xf32>
        %swap3A_261 = vector.shape_cast %broadcast_in_dim3A_72 : vector<16xf32> to vector<16xf32>
        tpu.vector_store %arg7[%swap3A_258], %swap3A_261 {strides = array<i32>} : memref<2048xf32, #tpu.memory_space<vmem>>, vector<16xf32>,
        %mul3A_262 = arith.constant 128 : i32
        %mul3A_263 = arith.muli %scan3A_241, %mul3A_262 : i32
        %add3A_264 = arith.constant 0 : i32
        %add3A_265 = arith.addi %add3A_264, %mul3A_263 : i32
        %add3A_266 = arith.constant 32 : i32
        %add3A_267 = arith.addi %add3A_265, %add3A_266 : i32
        %swap3A_268 = arith.index_cast %add3A_267 : i32 to index
        %swap3A_269 = tpu.vector_load %arg7[%swap3A_268] {strides = array<i32>} : memref<2048xf32, #tpu.memory_space<vmem>>, vector<16xf32>,
        %swap3A_270 = vector.shape_cast %swap3A_269 : vector<16xf32> to vector<16xf32>
        %swap3A_271 = vector.shape_cast %broadcast_in_dim3A_72 : vector<16xf32> to vector<16xf32>
        tpu.vector_store %arg7[%swap3A_268], %swap3A_271 {strides = array<i32>} : memref<2048xf32, #tpu.memory_space<vmem>>, vector<16xf32>,
        %mul3A_272 = arith.constant 128 : i32
        %mul3A_273 = arith.muli %scan3A_241, %mul3A_272 : i32
        %add3A_274 = arith.constant 0 : i32
        %add3A_275 = arith.addi %add3A_274, %mul3A_273 : i32
        %add3A_276 = arith.constant 48 : i32
        %add3A_277 = arith.addi %add3A_275, %add3A_276 : i32
        %swap3A_278 = arith.index_cast %add3A_277 : i32 to index
        %swap3A_279 = tpu.vector_load %arg7[%swap3A_278] {strides = array<i32>} : memref<2048xf32, #tpu.memory_space<vmem>>, vector<16xf32>,
        %swap3A_280 = vector.shape_cast %swap3A_279 : vector<16xf32> to vector<16xf32>
        %swap3A_281 = vector.shape_cast %broadcast_in_dim3A_72 : vector<16xf32> to vector<16xf32>
        tpu.vector_store %arg7[%swap3A_278], %swap3A_281 {strides = array<i32>} : memref<2048xf32, #tpu.memory_space<vmem>>, vector<16xf32>,
        %mul3A_282 = arith.constant 128 : i32
        %mul3A_283 = arith.muli %scan3A_241, %mul3A_282 : i32
        %add3A_284 = arith.constant 0 : i32
        %add3A_285 = arith.addi %add3A_284, %mul3A_283 : i32
        %add3A_286 = arith.constant 64 : i32
        %add3A_287 = arith.addi %add3A_285, %add3A_286 : i32
        %swap3A_288 = arith.index_cast %add3A_287 : i32 to index
        %swap3A_289 = tpu.vector_load %arg7[%swap3A_288] {strides = array<i32>} : memref<2048xf32, #tpu.memory_space<vmem>>, vector<16xf32>,
        %swap3A_290 = vector.shape_cast %swap3A_289 : vector<16xf32> to vector<16xf32>
        %swap3A_291 = vector.shape_cast %broadcast_in_dim3A_72 : vector<16xf32> to vector<16xf32>
        tpu.vector_store %arg7[%swap3A_288], %swap3A_291 {strides = array<i32>} : memref<2048xf32, #tpu.memory_space<vmem>>, vector<16xf32>,
        %mul3A_292 = arith.constant 128 : i32
        %mul3A_293 = arith.muli %scan3A_241, %mul3A_292 : i32
        %add3A_294 = arith.constant 0 : i32
        %add3A_295 = arith.addi %add3A_294, %mul3A_293 : i32
        %add3A_296 = arith.constant 80 : i32
        %add3A_297 = arith.addi %add3A_295, %add3A_296 : i32
        %swap3A_298 = arith.index_cast %add3A_297 : i32 to index
        %swap3A_299 = tpu.vector_load %arg7[%swap3A_298] {strides = array<i32>} : memref<2048xf32, #tpu.memory_space<vmem>>, vector<16xf32>,
        %swap3A_300 = vector.shape_cast %swap3A_299 : vector<16xf32> to vector<16xf32>
        %swap3A_301 = vector.shape_cast %broadcast_in_dim3A_72 : vector<16xf32> to vector<16xf32>
        tpu.vector_store %arg7[%swap3A_298], %swap3A_301 {strides = array<i32>} : memref<2048xf32, #tpu.memory_space<vmem>>, vector<16xf32>,
        %mul3A_302 = arith.constant 128 : i32
        %mul3A_303 = arith.muli %scan3A_241, %mul3A_302 : i32
        %add3A_304 = arith.constant 0 : i32
        %add3A_305 = arith.addi %add3A_304, %mul3A_303 : i32
        %add3A_306 = arith.constant 96 : i32
        %add3A_307 = arith.addi %add3A_305, %add3A_306 : i32
        %swap3A_308 = arith.index_cast %add3A_307 : i32 to index
        %swap3A_309 = tpu.vector_load %arg7[%swap3A_308] {strides = array<i32>} : memref<2048xf32, #tpu.memory_space<vmem>>, vector<16xf32>,
        %swap3A_310 = vector.shape_cast %swap3A_309 : vector<16xf32> to vector<16xf32>
        %swap3A_311 = vector.shape_cast %broadcast_in_dim3A_72 : vector<16xf32> to vector<16xf32>
        tpu.vector_store %arg7[%swap3A_308], %swap3A_311 {strides = array<i32>} : memref<2048xf32, #tpu.memory_space<vmem>>, vector<16xf32>,
        %mul3A_312 = arith.constant 128 : i32
        %mul3A_313 = arith.muli %scan3A_241, %mul3A_312 : i32
        %add3A_314 = arith.constant 0 : i32
        %add3A_315 = arith.addi %add3A_314, %mul3A_313 : i32
        %add3A_316 = arith.constant 112 : i32
        %add3A_317 = arith.addi %add3A_315, %add3A_316 : i32
        %swap3A_318 = arith.index_cast %add3A_317 : i32 to index
        %swap3A_319 = tpu.vector_load %arg7[%swap3A_318] {strides = array<i32>} : memref<2048xf32, #tpu.memory_space<vmem>>, vector<16xf32>,
        %swap3A_320 = vector.shape_cast %swap3A_319 : vector<16xf32> to vector<16xf32>
        %swap3A_321 = vector.shape_cast %broadcast_in_dim3A_72 : vector<16xf32> to vector<16xf32>
        tpu.vector_store %arg7[%swap3A_318], %swap3A_321 {strides = array<i32>} : memref<2048xf32, #tpu.memory_space<vmem>>, vector<16xf32>,
        %scan3A_322 = arith.constant 3 : i32
        %scan3A_323 = arith.addi %scan3A_78, %scan3A_322 : i32
        %mul3A_324 = arith.constant 128 : i32
        %mul3A_325 = arith.muli %scan3A_323, %mul3A_324 : i32
        %add3A_326 = arith.constant 0 : i32
        %add3A_327 = arith.addi %add3A_326, %mul3A_325 : i32
        %add3A_328 = arith.constant 0 : i32
        %add3A_329 = arith.addi %add3A_327, %add3A_328 : i32
        %swap3A_330 = arith.index_cast %add3A_329 : i32 to index
        %swap3A_331 = tpu.vector_load %arg7[%swap3A_330] {strides = array<i32>} : memref<2048xf32, #tpu.memory_space<vmem>>, vector<16xf32>,
        %swap3A_332 = vector.shape_cast %swap3A_331 : vector<16xf32> to vector<16xf32>
        %swap3A_333 = vector.shape_cast %broadcast_in_dim3A_72 : vector<16xf32> to vector<16xf32>
        tpu.vector_store %arg7[%swap3A_330], %swap3A_333 {strides = array<i32>} : memref<2048xf32, #tpu.memory_space<vmem>>, vector<16xf32>,
        %mul3A_334 = arith.constant 128 : i32
        %mul3A_335 = arith.muli %scan3A_323, %mul3A_334 : i32
        %add3A_336 = arith.constant 0 : i32
        %add3A_337 = arith.addi %add3A_336, %mul3A_335 : i32
        %add3A_338 = arith.constant 16 : i32
        %add3A_339 = arith.addi %add3A_337, %add3A_338 : i32
        %swap3A_340 = arith.index_cast %add3A_339 : i32 to index
        %swap3A_341 = tpu.vector_load %arg7[%swap3A_340] {strides = array<i32>} : memref<2048xf32, #tpu.memory_space<vmem>>, vector<16xf32>,
        %swap3A_342 = vector.shape_cast %swap3A_341 : vector<16xf32> to vector<16xf32>
        %swap3A_343 = vector.shape_cast %broadcast_in_dim3A_72 : vector<16xf32> to vector<16xf32>
        tpu.vector_store %arg7[%swap3A_340], %swap3A_343 {strides = array<i32>} : memref<2048xf32, #tpu.memory_space<vmem>>, vector<16xf32>,
        %mul3A_344 = arith.constant 128 : i32
        %mul3A_345 = arith.muli %scan3A_323, %mul3A_344 : i32
        %add3A_346 = arith.constant 0 : i32
        %add3A_347 = arith.addi %add3A_346, %mul3A_345 : i32
        %add3A_348 = arith.constant 32 : i32
        %add3A_349 = arith.addi %add3A_347, %add3A_348 : i32
        %swap3A_350 = arith.index_cast %add3A_349 : i32 to index
        %swap3A_351 = tpu.vector_load %arg7[%swap3A_350] {strides = array<i32>} : memref<2048xf32, #tpu.memory_space<vmem>>, vector<16xf32>,
        %swap3A_352 = vector.shape_cast %swap3A_351 : vector<16xf32> to vector<16xf32>
        %swap3A_353 = vector.shape_cast %broadcast_in_dim3A_72 : vector<16xf32> to vector<16xf32>
        tpu.vector_store %arg7[%swap3A_350], %swap3A_353 {strides = array<i32>} : memref<2048xf32, #tpu.memory_space<vmem>>, vector<16xf32>,
        %mul3A_354 = arith.constant 128 : i32
        %mul3A_355 = arith.muli %scan3A_323, %mul3A_354 : i32
        %add3A_356 = arith.constant 0 : i32
        %add3A_357 = arith.addi %add3A_356, %mul3A_355 : i32
        %add3A_358 = arith.constant 48 : i32
        %add3A_359 = arith.addi %add3A_357, %add3A_358 : i32
        %swap3A_360 = arith.index_cast %add3A_359 : i32 to index
        %swap3A_361 = tpu.vector_load %arg7[%swap3A_360] {strides = array<i32>} : memref<2048xf32, #tpu.memory_space<vmem>>, vector<16xf32>,
        %swap3A_362 = vector.shape_cast %swap3A_361 : vector<16xf32> to vector<16xf32>
        %swap3A_363 = vector.shape_cast %broadcast_in_dim3A_72 : vector<16xf32> to vector<16xf32>
        tpu.vector_store %arg7[%swap3A_360], %swap3A_363 {strides = array<i32>} : memref<2048xf32, #tpu.memory_space<vmem>>, vector<16xf32>,
        %mul3A_364 = arith.constant 128 : i32
        %mul3A_365 = arith.muli %scan3A_323, %mul3A_364 : i32
        %add3A_366 = arith.constant 0 : i32
        %add3A_367 = arith.addi %add3A_366, %mul3A_365 : i32
        %add3A_368 = arith.constant 64 : i32
        %add3A_369 = arith.addi %add3A_367, %add3A_368 : i32
        %swap3A_370 = arith.index_cast %add3A_369 : i32 to index
        %swap3A_371 = tpu.vector_load %arg7[%swap3A_370] {strides = array<i32>} : memref<2048xf32, #tpu.memory_space<vmem>>, vector<16xf32>,
        %swap3A_372 = vector.shape_cast %swap3A_371 : vector<16xf32> to vector<16xf32>
        %swap3A_373 = vector.shape_cast %broadcast_in_dim3A_72 : vector<16xf32> to vector<16xf32>
        tpu.vector_store %arg7[%swap3A_370], %swap3A_373 {strides = array<i32>} : memref<2048xf32, #tpu.memory_space<vmem>>, vector<16xf32>,
        %mul3A_374 = arith.constant 128 : i32
        %mul3A_375 = arith.muli %scan3A_323, %mul3A_374 : i32
        %add3A_376 = arith.constant 0 : i32
        %add3A_377 = arith.addi %add3A_376, %mul3A_375 : i32
        %add3A_378 = arith.constant 80 : i32
        %add3A_379 = arith.addi %add3A_377, %add3A_378 : i32
        %swap3A_380 = arith.index_cast %add3A_379 : i32 to index
        %swap3A_381 = tpu.vector_load %arg7[%swap3A_380] {strides = array<i32>} : memref<2048xf32, #tpu.memory_space<vmem>>, vector<16xf32>,
        %swap3A_382 = vector.shape_cast %swap3A_381 : vector<16xf32> to vector<16xf32>
        %swap3A_383 = vector.shape_cast %broadcast_in_dim3A_72 : vector<16xf32> to vector<16xf32>
        tpu.vector_store %arg7[%swap3A_380], %swap3A_383 {strides = array<i32>} : memref<2048xf32, #tpu.memory_space<vmem>>, vector<16xf32>,
        %mul3A_384 = arith.constant 128 : i32
        %mul3A_385 = arith.muli %scan3A_323, %mul3A_384 : i32
        %add3A_386 = arith.constant 0 : i32
        %add3A_387 = arith.addi %add3A_386, %mul3A_385 : i32
        %add3A_388 = arith.constant 96 : i32
        %add3A_389 = arith.addi %add3A_387, %add3A_388 : i32
        %swap3A_390 = arith.index_cast %add3A_389 : i32 to index
        %swap3A_391 = tpu.vector_load %arg7[%swap3A_390] {strides = array<i32>} : memref<2048xf32, #tpu.memory_space<vmem>>, vector<16xf32>,
        %swap3A_392 = vector.shape_cast %swap3A_391 : vector<16xf32> to vector<16xf32>
        %swap3A_393 = vector.shape_cast %broadcast_in_dim3A_72 : vector<16xf32> to vector<16xf32>
        tpu.vector_store %arg7[%swap3A_390], %swap3A_393 {strides = array<i32>} : memref<2048xf32, #tpu.memory_space<vmem>>, vector<16xf32>,
        %mul3A_394 = arith.constant 128 : i32
        %mul3A_395 = arith.muli %scan3A_323, %mul3A_394 : i32
        %add3A_396 = arith.constant 0 : i32
        %add3A_397 = arith.addi %add3A_396, %mul3A_395 : i32
        %add3A_398 = arith.constant 112 : i32
        %add3A_399 = arith.addi %add3A_397, %add3A_398 : i32
        %swap3A_400 = arith.index_cast %add3A_399 : i32 to index
        %swap3A_401 = tpu.vector_load %arg7[%swap3A_400] {strides = array<i32>} : memref<2048xf32, #tpu.memory_space<vmem>>, vector<16xf32>,
        %swap3A_402 = vector.shape_cast %swap3A_401 : vector<16xf32> to vector<16xf32>
        %swap3A_403 = vector.shape_cast %broadcast_in_dim3A_72 : vector<16xf32> to vector<16xf32>
        tpu.vector_store %arg7[%swap3A_400], %swap3A_403 {strides = array<i32>} : memref<2048xf32, #tpu.memory_space<vmem>>, vector<16xf32>,
      }
      %scan3A_77 = arith.constant 16 : i32
    } else {
    }
    %not3A = arith.constant true
    %not3A_31 = arith.xori %eq3A, %not3A : i1
    %convert_element_type3A_32 = arith.extui %not3A_31 : i1 to i32
    %cond3A_33 = arith.constant 0 : i32
    %cond3A_34 = arith.cmpi ne, %convert_element_type3A_32, %cond3A_33 : i32
    scf.if %cond3A_34 {
      %scan3A_72 = arith.constant 0 : i32
      %scan3A_73 = arith.constant 16 : i32
      %scan3A_74 = arith.addi %scan3A_72, %scan3A_73 : i32
      %scan3A_75 = arith.constant 2 : i32
      scf.for %scan3A_77 = %scan3A_72 to %scan3A_74 step %scan3A_75  : i32 {
        %add3A_78 = arith.constant 0 : i32
        %add3A_79 = arith.addi %add3A_78, %scan3A_77 : i32
        %get3A_80 = arith.index_cast %add3A_79 : i32 to index
        %get3A_81 = tpu.vector_load %arg6[%get3A_80] {strides = array<i32>} : memref<1040xi32, #tpu.memory_space<vmem>>, vector<16xi32>,
        %get3A_82 = vector.shape_cast %get3A_81 : vector<16xi32> to vector<16xi32>
        %lt3A_83 = arith.constant 0 : i32
        %lt3A_84 = vector.broadcast %lt3A_83 : i32 to vector<16xi32>
        %lt3A_85 = arith.cmpi slt, %broadcast_in_dim3A_15, %lt3A_84 : vector<16xi32>
        %add3A_86 = arith.constant 16 : i32
        %add3A_87 = vector.broadcast %add3A_86 : i32 to vector<16xi32>
        %add3A_88 = arith.addi %broadcast_in_dim3A_15, %add3A_87 : vector<16xi32>
        %select_n3A_89 = arith.select %lt3A_85, %add3A_88, %broadcast_in_dim3A_15 : vector<16xi1>, vector<16xi32>
        %broadcast_in_dim3A_90 = vector.shape_cast %select_n3A_89 : vector<16xi32> to vector<16x1xi32>
        %gather3A_91 = vector.shape_cast %broadcast_in_dim3A_90 : vector<16x1xi32> to vector<16xi32>
        %gather3A_92 = tpu.dynamic_gather %get3A_82[%gather3A_91] in [0] : vector<16xi32>, vector<16xi32> -> vector<16xi32>
        %lt3A_93 = arith.constant 0 : i32
        %lt3A_94 = vector.broadcast %lt3A_93 : i32 to vector<16xi32>
        %lt3A_95 = arith.cmpi slt, %gather3A_92, %lt3A_94 : vector<16xi32>
        %add3A_96 = arith.constant 16 : i32
        %add3A_97 = vector.broadcast %add3A_96 : i32 to vector<16xi32>
        %add3A_98 = arith.addi %gather3A_92, %add3A_97 : vector<16xi32>
        %select_n3A_99 = arith.select %lt3A_95, %add3A_98, %gather3A_92 : vector<16xi1>, vector<16xi32>
        %broadcast_in_dim3A_100 = vector.shape_cast %select_n3A_99 : vector<16xi32> to vector<16x1xi32>
        %gather3A_101 = vector.shape_cast %broadcast_in_dim3A_100 : vector<16x1xi32> to vector<16xi32>
        %gather3A_102 = tpu.dynamic_gather %get3A_14[%gather3A_101] in [0] : vector<16xf32>, vector<16xi32> -> vector<16xf32>
        %mul3A_103 = arith.constant 128 : i32
        %mul3A_104 = arith.muli %scan3A_77, %mul3A_103 : i32
        %add3A_105 = arith.constant 0 : i32
        %add3A_106 = arith.addi %add3A_105, %mul3A_104 : i32
        %add3A_107 = arith.constant 0 : i32
        %add3A_108 = arith.addi %add3A_106, %add3A_107 : i32
        %swap3A = arith.index_cast %add3A_108 : i32 to index
        %swap3A_109 = tpu.vector_load %arg7[%swap3A] {strides = array<i32>} : memref<2048xf32, #tpu.memory_space<vmem>>, vector<16xf32>,
        %swap3A_110 = vector.shape_cast %swap3A_109 : vector<16xf32> to vector<16xf32>
        %swap3A_111 = vector.shape_cast %gather3A_102 : vector<16xf32> to vector<16xf32>
        tpu.vector_store %arg7[%swap3A], %swap3A_111 {strides = array<i32>} : memref<2048xf32, #tpu.memory_space<vmem>>, vector<16xf32>,
        %mul3A_112 = arith.constant 128 : i32
        %mul3A_113 = arith.muli %scan3A_77, %mul3A_112 : i32
        %add3A_114 = arith.constant 0 : i32
        %add3A_115 = arith.addi %add3A_114, %mul3A_113 : i32
        %add3A_116 = arith.constant 16 : i32
        %add3A_117 = arith.addi %add3A_115, %add3A_116 : i32
        %swap3A_118 = arith.index_cast %add3A_117 : i32 to index
        %swap3A_119 = tpu.vector_load %arg7[%swap3A_118] {strides = array<i32>} : memref<2048xf32, #tpu.memory_space<vmem>>, vector<16xf32>,
        %swap3A_120 = vector.shape_cast %swap3A_119 : vector<16xf32> to vector<16xf32>
        %swap3A_121 = vector.shape_cast %gather3A_102 : vector<16xf32> to vector<16xf32>
        tpu.vector_store %arg7[%swap3A_118], %swap3A_121 {strides = array<i32>} : memref<2048xf32, #tpu.memory_space<vmem>>, vector<16xf32>,
        %mul3A_122 = arith.constant 128 : i32
        %mul3A_123 = arith.muli %scan3A_77, %mul3A_122 : i32
        %add3A_124 = arith.constant 0 : i32
        %add3A_125 = arith.addi %add3A_124, %mul3A_123 : i32
        %add3A_126 = arith.constant 32 : i32
        %add3A_127 = arith.addi %add3A_125, %add3A_126 : i32
        %swap3A_128 = arith.index_cast %add3A_127 : i32 to index
        %swap3A_129 = tpu.vector_load %arg7[%swap3A_128] {strides = array<i32>} : memref<2048xf32, #tpu.memory_space<vmem>>, vector<16xf32>,
        %swap3A_130 = vector.shape_cast %swap3A_129 : vector<16xf32> to vector<16xf32>
        %swap3A_131 = vector.shape_cast %gather3A_102 : vector<16xf32> to vector<16xf32>
        tpu.vector_store %arg7[%swap3A_128], %swap3A_131 {strides = array<i32>} : memref<2048xf32, #tpu.memory_space<vmem>>, vector<16xf32>,
        %mul3A_132 = arith.constant 128 : i32
        %mul3A_133 = arith.muli %scan3A_77, %mul3A_132 : i32
        %add3A_134 = arith.constant 0 : i32
        %add3A_135 = arith.addi %add3A_134, %mul3A_133 : i32
        %add3A_136 = arith.constant 48 : i32
        %add3A_137 = arith.addi %add3A_135, %add3A_136 : i32
        %swap3A_138 = arith.index_cast %add3A_137 : i32 to index
        %swap3A_139 = tpu.vector_load %arg7[%swap3A_138] {strides = array<i32>} : memref<2048xf32, #tpu.memory_space<vmem>>, vector<16xf32>,
        %swap3A_140 = vector.shape_cast %swap3A_139 : vector<16xf32> to vector<16xf32>
        %swap3A_141 = vector.shape_cast %gather3A_102 : vector<16xf32> to vector<16xf32>
        tpu.vector_store %arg7[%swap3A_138], %swap3A_141 {strides = array<i32>} : memref<2048xf32, #tpu.memory_space<vmem>>, vector<16xf32>,
        %mul3A_142 = arith.constant 128 : i32
        %mul3A_143 = arith.muli %scan3A_77, %mul3A_142 : i32
        %add3A_144 = arith.constant 0 : i32
        %add3A_145 = arith.addi %add3A_144, %mul3A_143 : i32
        %add3A_146 = arith.constant 64 : i32
        %add3A_147 = arith.addi %add3A_145, %add3A_146 : i32
        %swap3A_148 = arith.index_cast %add3A_147 : i32 to index
        %swap3A_149 = tpu.vector_load %arg7[%swap3A_148] {strides = array<i32>} : memref<2048xf32, #tpu.memory_space<vmem>>, vector<16xf32>,
        %swap3A_150 = vector.shape_cast %swap3A_149 : vector<16xf32> to vector<16xf32>
        %swap3A_151 = vector.shape_cast %gather3A_102 : vector<16xf32> to vector<16xf32>
        tpu.vector_store %arg7[%swap3A_148], %swap3A_151 {strides = array<i32>} : memref<2048xf32, #tpu.memory_space<vmem>>, vector<16xf32>,
        %mul3A_152 = arith.constant 128 : i32
        %mul3A_153 = arith.muli %scan3A_77, %mul3A_152 : i32
        %add3A_154 = arith.constant 0 : i32
        %add3A_155 = arith.addi %add3A_154, %mul3A_153 : i32
        %add3A_156 = arith.constant 80 : i32
        %add3A_157 = arith.addi %add3A_155, %add3A_156 : i32
        %swap3A_158 = arith.index_cast %add3A_157 : i32 to index
        %swap3A_159 = tpu.vector_load %arg7[%swap3A_158] {strides = array<i32>} : memref<2048xf32, #tpu.memory_space<vmem>>, vector<16xf32>,
        %swap3A_160 = vector.shape_cast %swap3A_159 : vector<16xf32> to vector<16xf32>
        %swap3A_161 = vector.shape_cast %gather3A_102 : vector<16xf32> to vector<16xf32>
        tpu.vector_store %arg7[%swap3A_158], %swap3A_161 {strides = array<i32>} : memref<2048xf32, #tpu.memory_space<vmem>>, vector<16xf32>,
        %mul3A_162 = arith.constant 128 : i32
        %mul3A_163 = arith.muli %scan3A_77, %mul3A_162 : i32
        %add3A_164 = arith.constant 0 : i32
        %add3A_165 = arith.addi %add3A_164, %mul3A_163 : i32
        %add3A_166 = arith.constant 96 : i32
        %add3A_167 = arith.addi %add3A_165, %add3A_166 : i32
        %swap3A_168 = arith.index_cast %add3A_167 : i32 to index
        %swap3A_169 = tpu.vector_load %arg7[%swap3A_168] {strides = array<i32>} : memref<2048xf32, #tpu.memory_space<vmem>>, vector<16xf32>,
        %swap3A_170 = vector.shape_cast %swap3A_169 : vector<16xf32> to vector<16xf32>
        %swap3A_171 = vector.shape_cast %gather3A_102 : vector<16xf32> to vector<16xf32>
        tpu.vector_store %arg7[%swap3A_168], %swap3A_171 {strides = array<i32>} : memref<2048xf32, #tpu.memory_space<vmem>>, vector<16xf32>,
        %mul3A_172 = arith.constant 128 : i32
        %mul3A_173 = arith.muli %scan3A_77, %mul3A_172 : i32
        %add3A_174 = arith.constant 0 : i32
        %add3A_175 = arith.addi %add3A_174, %mul3A_173 : i32
        %add3A_176 = arith.constant 112 : i32
        %add3A_177 = arith.addi %add3A_175, %add3A_176 : i32
        %swap3A_178 = arith.index_cast %add3A_177 : i32 to index
        %swap3A_179 = tpu.vector_load %arg7[%swap3A_178] {strides = array<i32>} : memref<2048xf32, #tpu.memory_space<vmem>>, vector<16xf32>,
        %swap3A_180 = vector.shape_cast %swap3A_179 : vector<16xf32> to vector<16xf32>
        %swap3A_181 = vector.shape_cast %gather3A_102 : vector<16xf32> to vector<16xf32>
        tpu.vector_store %arg7[%swap3A_178], %swap3A_181 {strides = array<i32>} : memref<2048xf32, #tpu.memory_space<vmem>>, vector<16xf32>,
        %scan3A_182 = arith.constant 1 : i32
        %scan3A_183 = arith.addi %scan3A_77, %scan3A_182 : i32
        %add3A_184 = arith.constant 0 : i32
        %add3A_185 = arith.addi %add3A_184, %scan3A_183 : i32
        %get3A_186 = arith.index_cast %add3A_185 : i32 to index
        %get3A_187 = tpu.vector_load %arg6[%get3A_186] {strides = array<i32>} : memref<1040xi32, #tpu.memory_space<vmem>>, vector<16xi32>,
        %get3A_188 = vector.shape_cast %get3A_187 : vector<16xi32> to vector<16xi32>
        %lt3A_189 = arith.constant 0 : i32
        %lt3A_190 = vector.broadcast %lt3A_189 : i32 to vector<16xi32>
        %lt3A_191 = arith.cmpi slt, %broadcast_in_dim3A_15, %lt3A_190 : vector<16xi32>
        %add3A_192 = arith.constant 16 : i32
        %add3A_193 = vector.broadcast %add3A_192 : i32 to vector<16xi32>
        %add3A_194 = arith.addi %broadcast_in_dim3A_15, %add3A_193 : vector<16xi32>
        %select_n3A_195 = arith.select %lt3A_191, %add3A_194, %broadcast_in_dim3A_15 : vector<16xi1>, vector<16xi32>
        %broadcast_in_dim3A_196 = vector.shape_cast %select_n3A_195 : vector<16xi32> to vector<16x1xi32>
        %gather3A_197 = vector.shape_cast %broadcast_in_dim3A_196 : vector<16x1xi32> to vector<16xi32>
        %gather3A_198 = tpu.dynamic_gather %get3A_188[%gather3A_197] in [0] : vector<16xi32>, vector<16xi32> -> vector<16xi32>
        %lt3A_199 = arith.constant 0 : i32
        %lt3A_200 = vector.broadcast %lt3A_199 : i32 to vector<16xi32>
        %lt3A_201 = arith.cmpi slt, %gather3A_198, %lt3A_200 : vector<16xi32>
        %add3A_202 = arith.constant 16 : i32
        %add3A_203 = vector.broadcast %add3A_202 : i32 to vector<16xi32>
        %add3A_204 = arith.addi %gather3A_198, %add3A_203 : vector<16xi32>
        %select_n3A_205 = arith.select %lt3A_201, %add3A_204, %gather3A_198 : vector<16xi1>, vector<16xi32>
        %broadcast_in_dim3A_206 = vector.shape_cast %select_n3A_205 : vector<16xi32> to vector<16x1xi32>
        %gather3A_207 = vector.shape_cast %broadcast_in_dim3A_206 : vector<16x1xi32> to vector<16xi32>
        %gather3A_208 = tpu.dynamic_gather %get3A_14[%gather3A_207] in [0] : vector<16xf32>, vector<16xi32> -> vector<16xf32>
        %mul3A_209 = arith.constant 128 : i32
        %mul3A_210 = arith.muli %scan3A_183, %mul3A_209 : i32
        %add3A_211 = arith.constant 0 : i32
        %add3A_212 = arith.addi %add3A_211, %mul3A_210 : i32
        %add3A_213 = arith.constant 0 : i32
        %add3A_214 = arith.addi %add3A_212, %add3A_213 : i32
        %swap3A_215 = arith.index_cast %add3A_214 : i32 to index
        %swap3A_216 = tpu.vector_load %arg7[%swap3A_215] {strides = array<i32>} : memref<2048xf32, #tpu.memory_space<vmem>>, vector<16xf32>,
        %swap3A_217 = vector.shape_cast %swap3A_216 : vector<16xf32> to vector<16xf32>
        %swap3A_218 = vector.shape_cast %gather3A_208 : vector<16xf32> to vector<16xf32>
        tpu.vector_store %arg7[%swap3A_215], %swap3A_218 {strides = array<i32>} : memref<2048xf32, #tpu.memory_space<vmem>>, vector<16xf32>,
        %mul3A_219 = arith.constant 128 : i32
        %mul3A_220 = arith.muli %scan3A_183, %mul3A_219 : i32
        %add3A_221 = arith.constant 0 : i32
        %add3A_222 = arith.addi %add3A_221, %mul3A_220 : i32
        %add3A_223 = arith.constant 16 : i32
        %add3A_224 = arith.addi %add3A_222, %add3A_223 : i32
        %swap3A_225 = arith.index_cast %add3A_224 : i32 to index
        %swap3A_226 = tpu.vector_load %arg7[%swap3A_225] {strides = array<i32>} : memref<2048xf32, #tpu.memory_space<vmem>>, vector<16xf32>,
        %swap3A_227 = vector.shape_cast %swap3A_226 : vector<16xf32> to vector<16xf32>
        %swap3A_228 = vector.shape_cast %gather3A_208 : vector<16xf32> to vector<16xf32>
        tpu.vector_store %arg7[%swap3A_225], %swap3A_228 {strides = array<i32>} : memref<2048xf32, #tpu.memory_space<vmem>>, vector<16xf32>,
        %mul3A_229 = arith.constant 128 : i32
        %mul3A_230 = arith.muli %scan3A_183, %mul3A_229 : i32
        %add3A_231 = arith.constant 0 : i32
        %add3A_232 = arith.addi %add3A_231, %mul3A_230 : i32
        %add3A_233 = arith.constant 32 : i32
        %add3A_234 = arith.addi %add3A_232, %add3A_233 : i32
        %swap3A_235 = arith.index_cast %add3A_234 : i32 to index
        %swap3A_236 = tpu.vector_load %arg7[%swap3A_235] {strides = array<i32>} : memref<2048xf32, #tpu.memory_space<vmem>>, vector<16xf32>,
        %swap3A_237 = vector.shape_cast %swap3A_236 : vector<16xf32> to vector<16xf32>
        %swap3A_238 = vector.shape_cast %gather3A_208 : vector<16xf32> to vector<16xf32>
        tpu.vector_store %arg7[%swap3A_235], %swap3A_238 {strides = array<i32>} : memref<2048xf32, #tpu.memory_space<vmem>>, vector<16xf32>,
        %mul3A_239 = arith.constant 128 : i32
        %mul3A_240 = arith.muli %scan3A_183, %mul3A_239 : i32
        %add3A_241 = arith.constant 0 : i32
        %add3A_242 = arith.addi %add3A_241, %mul3A_240 : i32
        %add3A_243 = arith.constant 48 : i32
        %add3A_244 = arith.addi %add3A_242, %add3A_243 : i32
        %swap3A_245 = arith.index_cast %add3A_244 : i32 to index
        %swap3A_246 = tpu.vector_load %arg7[%swap3A_245] {strides = array<i32>} : memref<2048xf32, #tpu.memory_space<vmem>>, vector<16xf32>,
        %swap3A_247 = vector.shape_cast %swap3A_246 : vector<16xf32> to vector<16xf32>
        %swap3A_248 = vector.shape_cast %gather3A_208 : vector<16xf32> to vector<16xf32>
        tpu.vector_store %arg7[%swap3A_245], %swap3A_248 {strides = array<i32>} : memref<2048xf32, #tpu.memory_space<vmem>>, vector<16xf32>,
        %mul3A_249 = arith.constant 128 : i32
        %mul3A_250 = arith.muli %scan3A_183, %mul3A_249 : i32
        %add3A_251 = arith.constant 0 : i32
        %add3A_252 = arith.addi %add3A_251, %mul3A_250 : i32
        %add3A_253 = arith.constant 64 : i32
        %add3A_254 = arith.addi %add3A_252, %add3A_253 : i32
        %swap3A_255 = arith.index_cast %add3A_254 : i32 to index
        %swap3A_256 = tpu.vector_load %arg7[%swap3A_255] {strides = array<i32>} : memref<2048xf32, #tpu.memory_space<vmem>>, vector<16xf32>,
        %swap3A_257 = vector.shape_cast %swap3A_256 : vector<16xf32> to vector<16xf32>
        %swap3A_258 = vector.shape_cast %gather3A_208 : vector<16xf32> to vector<16xf32>
        tpu.vector_store %arg7[%swap3A_255], %swap3A_258 {strides = array<i32>} : memref<2048xf32, #tpu.memory_space<vmem>>, vector<16xf32>,
        %mul3A_259 = arith.constant 128 : i32
        %mul3A_260 = arith.muli %scan3A_183, %mul3A_259 : i32
        %add3A_261 = arith.constant 0 : i32
        %add3A_262 = arith.addi %add3A_261, %mul3A_260 : i32
        %add3A_263 = arith.constant 80 : i32
        %add3A_264 = arith.addi %add3A_262, %add3A_263 : i32
        %swap3A_265 = arith.index_cast %add3A_264 : i32 to index
        %swap3A_266 = tpu.vector_load %arg7[%swap3A_265] {strides = array<i32>} : memref<2048xf32, #tpu.memory_space<vmem>>, vector<16xf32>,
        %swap3A_267 = vector.shape_cast %swap3A_266 : vector<16xf32> to vector<16xf32>
        %swap3A_268 = vector.shape_cast %gather3A_208 : vector<16xf32> to vector<16xf32>
        tpu.vector_store %arg7[%swap3A_265], %swap3A_268 {strides = array<i32>} : memref<2048xf32, #tpu.memory_space<vmem>>, vector<16xf32>,
        %mul3A_269 = arith.constant 128 : i32
        %mul3A_270 = arith.muli %scan3A_183, %mul3A_269 : i32
        %add3A_271 = arith.constant 0 : i32
        %add3A_272 = arith.addi %add3A_271, %mul3A_270 : i32
        %add3A_273 = arith.constant 96 : i32
        %add3A_274 = arith.addi %add3A_272, %add3A_273 : i32
        %swap3A_275 = arith.index_cast %add3A_274 : i32 to index
        %swap3A_276 = tpu.vector_load %arg7[%swap3A_275] {strides = array<i32>} : memref<2048xf32, #tpu.memory_space<vmem>>, vector<16xf32>,
        %swap3A_277 = vector.shape_cast %swap3A_276 : vector<16xf32> to vector<16xf32>
        %swap3A_278 = vector.shape_cast %gather3A_208 : vector<16xf32> to vector<16xf32>
        tpu.vector_store %arg7[%swap3A_275], %swap3A_278 {strides = array<i32>} : memref<2048xf32, #tpu.memory_space<vmem>>, vector<16xf32>,
        %mul3A_279 = arith.constant 128 : i32
        %mul3A_280 = arith.muli %scan3A_183, %mul3A_279 : i32
        %add3A_281 = arith.constant 0 : i32
        %add3A_282 = arith.addi %add3A_281, %mul3A_280 : i32
        %add3A_283 = arith.constant 112 : i32
        %add3A_284 = arith.addi %add3A_282, %add3A_283 : i32
        %swap3A_285 = arith.index_cast %add3A_284 : i32 to index
        %swap3A_286 = tpu.vector_load %arg7[%swap3A_285] {strides = array<i32>} : memref<2048xf32, #tpu.memory_space<vmem>>, vector<16xf32>,
        %swap3A_287 = vector.shape_cast %swap3A_286 : vector<16xf32> to vector<16xf32>
        %swap3A_288 = vector.shape_cast %gather3A_208 : vector<16xf32> to vector<16xf32>
        tpu.vector_store %arg7[%swap3A_285], %swap3A_288 {strides = array<i32>} : memref<2048xf32, #tpu.memory_space<vmem>>, vector<16xf32>,
      }
      %scan3A_76 = arith.constant 16 : i32
    } else {
    }
    %mul3A_35 = arith.constant 128 : i32
    %mul3A_36 = arith.muli %mul3A_2, %mul3A_35 : i32
    %dma_start3A_37 = tpu.memref_slice %arg4[%mul3A_36] : memref<4194304xf32, #tpu.memory_space<hbm>> -> memref<2048xf32, #tpu.memory_space<hbm>>
    %dma_start3A_38 = tpu.memref_slice %arg4[%mul3A_36] : memref<4194304xf32, #tpu.memory_space<hbm>> -> memref<2048xf32, #tpu.memory_space<hbm>>
    tpu.enqueue_dma source(%arg7 : memref<2048xf32, #tpu.memory_space<vmem>>) target(%dma_start3A_38 : memref<2048xf32, #tpu.memory_space<hbm>>) target_semaphore(%arg11 : memref<!tpu.dma_semaphore, #tpu.memory_space<semaphore_mem>>)
    %scan3A = arith.constant false
    %scan3A_39 = arith.constant 0.000000e+00 : f32
    %scan3A_40 = arith.constant false
    %scan3A_41 = arith.constant 0.000000e+00 : f32
    %scan3A_42 = arith.constant 0 : i32
    %scan3A_43 = arith.constant 9 : i32
    %scan3A_44 = arith.addi %scan3A_42, %scan3A_43 : i32
    %scan3A_45 = arith.constant 1 : i32
    %scan3A_46:4 = scf.for %scan3A_72 = %scan3A_42 to %scan3A_44 step %scan3A_45 iter_args(%scan3A_73 = %scan3A, %scan3A_74 = %scan3A_39, %scan3A_75 = %scan3A_40, %scan3A_76 = %scan3A_41) -> (i1, f32, i1, f32)  : i32 {
      %mul3A_77 = arith.constant 112 : i32
      %mul3A_78 = arith.muli %scan3A_72, %mul3A_77 : i32
      %add3A_79 = arith.constant 16 : i32
      %add3A_80 = arith.addi %add3A_79, %mul3A_78 : i32
      %rem3A = arith.constant 2 : i32
      %rem3A_81 = arith.remsi %scan3A_72, %rem3A : i32
      %eq3A_82 = arith.constant 0 : i32
      %eq3A_83 = arith.cmpi eq, %rem3A_81, %eq3A_82 : i32
      %mul3A_84 = arith.constant 14336 : i32
      %mul3A_85 = arith.muli %rem3A_81, %mul3A_84 : i32
      %get3A_86 = arith.index_cast %add3A_80 : i32 to index
      %get3A_87 = tpu.vector_load %arg6[%get3A_86] {strides = array<i32>} : memref<1040xi32, #tpu.memory_space<vmem>>, vector<16xi32>,
      %get3A_88 = vector.shape_cast %get3A_87 : vector<16xi32> to vector<16xi32>
      %add3A_89 = arith.constant 112 : i32
      %add3A_90 = arith.addi %add3A_80, %add3A_89 : i32
      %sub3A = arith.constant 16 : i32
      %sub3A_91 = arith.subi %add3A_90, %sub3A : i32
      %get3A_92 = arith.index_cast %sub3A_91 : i32 to index
      %get3A_93 = tpu.vector_load %arg6[%get3A_92] {strides = array<i32>} : memref<1040xi32, #tpu.memory_space<vmem>>, vector<16xi32>,
      %get3A_94 = vector.shape_cast %get3A_93 : vector<16xi32> to vector<16xi32>
      %slice3A_95 = vector.extract_strided_slice %get3A_88 {offsets = [0], sizes = [1], strides = [1]} : vector<16xi32> to vector<1xi32>
      %squeeze3A_96 = vector.extract %slice3A_95[0] : i32 from vector<1xi32>
      %slice3A_97 = vector.extract_strided_slice %get3A_94 {offsets = [15], sizes = [1], strides = [1]} : vector<16xi32> to vector<1xi32>
      %squeeze3A_98 = vector.extract %slice3A_97[0] : i32 from vector<1xi32>
      %eq3A_99 = arith.cmpi eq, %squeeze3A_96, %squeeze3A_98 : i32
      %lt3A_100 = arith.constant 0 : i32
      %lt3A_101 = vector.broadcast %lt3A_100 : i32 to vector<16xi32>
      %lt3A_102 = arith.cmpi slt, %get3A_88, %lt3A_101 : vector<16xi32>
      %add3A_103 = arith.constant 16 : i32
      %add3A_104 = vector.broadcast %add3A_103 : i32 to vector<16xi32>
      %add3A_105 = arith.addi %get3A_88, %add3A_104 : vector<16xi32>
      %select_n3A_106 = arith.select %lt3A_102, %add3A_105, %get3A_88 : vector<16xi1>, vector<16xi32>
      %broadcast_in_dim3A_107 = vector.shape_cast %select_n3A_106 : vector<16xi32> to vector<16x1xi32>
      %gather3A_108 = vector.shape_cast %broadcast_in_dim3A_107 : vector<16x1xi32> to vector<16xi32>
      %gather3A_109 = tpu.dynamic_gather %get3A_14[%gather3A_108] in [0] : vector<16xf32>, vector<16xi32> -> vector<16xf32>
      %slice3A_110 = vector.extract_strided_slice %gather3A_109 {offsets = [0], sizes = [1], strides = [1]} : vector<16xf32> to vector<1xf32>
      %squeeze3A_111 = vector.extract %slice3A_110[0] : f32 from vector<1xf32>
      %eq3A_112 = arith.cmpf oeq, %squeeze3A_111, %scan3A_74 : f32
      %and3A = arith.andi %scan3A_73, %eq3A_112 : i1
      %eq3A_113 = arith.cmpf oeq, %squeeze3A_111, %scan3A_76 : f32
      %and3A_114 = arith.andi %scan3A_75, %eq3A_113 : i1
      %select_n3A_115 = arith.select %eq3A_83, %and3A, %and3A_114 : i1
      %ge3A = arith.constant 2 : i32
      %ge3A_116 = arith.cmpi sge, %scan3A_72, %ge3A : i32
      %convert_element_type3A_117 = arith.extui %ge3A_116 : i1 to i32
      %cond3A_118 = arith.constant 0 : i32
      %cond3A_119 = arith.cmpi ne, %convert_element_type3A_117, %cond3A_118 : i32
      scf.if %cond3A_119 {
        %dma_wait3A_144 = tpu.memref_slice %arg8[%mul3A_85] : memref<28672xf32, #tpu.memory_space<vmem>> -> memref<14336xf32, #tpu.memory_space<vmem>>
        %dma_wait3A_145 = arith.constant 0 : i32
        %dma_wait3A_146 = tpu.memref_slice %arg4[%dma_wait3A_145] : memref<4194304xf32, #tpu.memory_space<hbm>> -> memref<14336xf32, #tpu.memory_space<hbm>>
        %dma_wait3A_147 = tpu.memref_slice %arg12[%rem3A_81] : memref<2x!tpu.dma_semaphore, #tpu.memory_space<semaphore_mem>> -> memref<1x!tpu.dma_semaphore, #tpu.memory_space<semaphore_mem>>
        %dma_wait3A_148 = tpu.memref_squeeze %dma_wait3A_147 : memref<1x!tpu.dma_semaphore, #tpu.memory_space<semaphore_mem>> -> memref<!tpu.dma_semaphore, #tpu.memory_space<semaphore_mem>>
        %dma_wait3A_149 = tpu.memref_slice %arg8[%mul3A_85] : memref<28672xf32, #tpu.memory_space<vmem>> -> memref<14336xf32, #tpu.memory_space<vmem>>
        %dma_wait3A_150 = arith.constant 0 : i32
        %dma_wait3A_151 = tpu.memref_slice %arg4[%dma_wait3A_150] : memref<4194304xf32, #tpu.memory_space<hbm>> -> memref<14336xf32, #tpu.memory_space<hbm>>
        tpu.wait_dma2 semaphore(%dma_wait3A_148 : memref<!tpu.dma_semaphore, #tpu.memory_space<semaphore_mem>>) src(%dma_wait3A_151 : memref<14336xf32, #tpu.memory_space<hbm>>) dst(%dma_wait3A_149 : memref<14336xf32, #tpu.memory_space<vmem>>)
      } else {
      }
      %not3A_120 = arith.constant true
      %not3A_121 = arith.xori %select_n3A_115, %not3A_120 : i1
      %and3A_122 = arith.andi %eq3A_99, %not3A_121 : i1
      %convert_element_type3A_123 = arith.extui %and3A_122 : i1 to i32
      %cond3A_124 = arith.constant 0 : i32
      %cond3A_125 = arith.cmpi ne, %convert_element_type3A_123, %cond3A_124 : i32
      scf.if %cond3A_125 {
        %broadcast_in_dim3A_144 = vector.broadcast %squeeze3A_111 : f32 to vector<16xf32>
        %scan3A_145 = arith.constant 0 : i32
        %scan3A_146 = arith.constant 112 : i32
        %scan3A_147 = arith.addi %scan3A_145, %scan3A_146 : i32
        %scan3A_148 = arith.constant 4 : i32
        scf.for %scan3A_150 = %scan3A_145 to %scan3A_147 step %scan3A_148  : i32 {
          %mul3A_151 = arith.constant 128 : i32
          %mul3A_152 = arith.muli %scan3A_150, %mul3A_151 : i32
          %add3A_153 = arith.addi %mul3A_85, %mul3A_152 : i32
          %add3A_154 = arith.constant 0 : i32
          %add3A_155 = arith.addi %add3A_153, %add3A_154 : i32
          %swap3A = arith.index_cast %add3A_155 : i32 to index
          %swap3A_156 = tpu.vector_load %arg8[%swap3A] {strides = array<i32>} : memref<28672xf32, #tpu.memory_space<vmem>>, vector<16xf32>,
          %swap3A_157 = vector.shape_cast %swap3A_156 : vector<16xf32> to vector<16xf32>
          %swap3A_158 = vector.shape_cast %broadcast_in_dim3A_144 : vector<16xf32> to vector<16xf32>
          tpu.vector_store %arg8[%swap3A], %swap3A_158 {strides = array<i32>} : memref<28672xf32, #tpu.memory_space<vmem>>, vector<16xf32>,
          %mul3A_159 = arith.constant 128 : i32
          %mul3A_160 = arith.muli %scan3A_150, %mul3A_159 : i32
          %add3A_161 = arith.addi %mul3A_85, %mul3A_160 : i32
          %add3A_162 = arith.constant 16 : i32
          %add3A_163 = arith.addi %add3A_161, %add3A_162 : i32
          %swap3A_164 = arith.index_cast %add3A_163 : i32 to index
          %swap3A_165 = tpu.vector_load %arg8[%swap3A_164] {strides = array<i32>} : memref<28672xf32, #tpu.memory_space<vmem>>, vector<16xf32>,
          %swap3A_166 = vector.shape_cast %swap3A_165 : vector<16xf32> to vector<16xf32>
          %swap3A_167 = vector.shape_cast %broadcast_in_dim3A_144 : vector<16xf32> to vector<16xf32>
          tpu.vector_store %arg8[%swap3A_164], %swap3A_167 {strides = array<i32>} : memref<28672xf32, #tpu.memory_space<vmem>>, vector<16xf32>,
          %mul3A_168 = arith.constant 128 : i32
          %mul3A_169 = arith.muli %scan3A_150, %mul3A_168 : i32
          %add3A_170 = arith.addi %mul3A_85, %mul3A_169 : i32
          %add3A_171 = arith.constant 32 : i32
          %add3A_172 = arith.addi %add3A_170, %add3A_171 : i32
          %swap3A_173 = arith.index_cast %add3A_172 : i32 to index
          %swap3A_174 = tpu.vector_load %arg8[%swap3A_173] {strides = array<i32>} : memref<28672xf32, #tpu.memory_space<vmem>>, vector<16xf32>,
          %swap3A_175 = vector.shape_cast %swap3A_174 : vector<16xf32> to vector<16xf32>
          %swap3A_176 = vector.shape_cast %broadcast_in_dim3A_144 : vector<16xf32> to vector<16xf32>
          tpu.vector_store %arg8[%swap3A_173], %swap3A_176 {strides = array<i32>} : memref<28672xf32, #tpu.memory_space<vmem>>, vector<16xf32>,
          %mul3A_177 = arith.constant 128 : i32
          %mul3A_178 = arith.muli %scan3A_150, %mul3A_177 : i32
          %add3A_179 = arith.addi %mul3A_85, %mul3A_178 : i32
          %add3A_180 = arith.constant 48 : i32
          %add3A_181 = arith.addi %add3A_179, %add3A_180 : i32
          %swap3A_182 = arith.index_cast %add3A_181 : i32 to index
          %swap3A_183 = tpu.vector_load %arg8[%swap3A_182] {strides = array<i32>} : memref<28672xf32, #tpu.memory_space<vmem>>, vector<16xf32>,
          %swap3A_184 = vector.shape_cast %swap3A_183 : vector<16xf32> to vector<16xf32>
          %swap3A_185 = vector.shape_cast %broadcast_in_dim3A_144 : vector<16xf32> to vector<16xf32>
          tpu.vector_store %arg8[%swap3A_182], %swap3A_185 {strides = array<i32>} : memref<28672xf32, #tpu.memory_space<vmem>>, vector<16xf32>,
          %mul3A_186 = arith.constant 128 : i32
          %mul3A_187 = arith.muli %scan3A_150, %mul3A_186 : i32
          %add3A_188 = arith.addi %mul3A_85, %mul3A_187 : i32
          %add3A_189 = arith.constant 64 : i32
          %add3A_190 = arith.addi %add3A_188, %add3A_189 : i32
          %swap3A_191 = arith.index_cast %add3A_190 : i32 to index
          %swap3A_192 = tpu.vector_load %arg8[%swap3A_191] {strides = array<i32>} : memref<28672xf32, #tpu.memory_space<vmem>>, vector<16xf32>,
          %swap3A_193 = vector.shape_cast %swap3A_192 : vector<16xf32> to vector<16xf32>
          %swap3A_194 = vector.shape_cast %broadcast_in_dim3A_144 : vector<16xf32> to vector<16xf32>
          tpu.vector_store %arg8[%swap3A_191], %swap3A_194 {strides = array<i32>} : memref<28672xf32, #tpu.memory_space<vmem>>, vector<16xf32>,
          %mul3A_195 = arith.constant 128 : i32
          %mul3A_196 = arith.muli %scan3A_150, %mul3A_195 : i32
          %add3A_197 = arith.addi %mul3A_85, %mul3A_196 : i32
          %add3A_198 = arith.constant 80 : i32
          %add3A_199 = arith.addi %add3A_197, %add3A_198 : i32
          %swap3A_200 = arith.index_cast %add3A_199 : i32 to index
          %swap3A_201 = tpu.vector_load %arg8[%swap3A_200] {strides = array<i32>} : memref<28672xf32, #tpu.memory_space<vmem>>, vector<16xf32>,
          %swap3A_202 = vector.shape_cast %swap3A_201 : vector<16xf32> to vector<16xf32>
          %swap3A_203 = vector.shape_cast %broadcast_in_dim3A_144 : vector<16xf32> to vector<16xf32>
          tpu.vector_store %arg8[%swap3A_200], %swap3A_203 {strides = array<i32>} : memref<28672xf32, #tpu.memory_space<vmem>>, vector<16xf32>,
          %mul3A_204 = arith.constant 128 : i32
          %mul3A_205 = arith.muli %scan3A_150, %mul3A_204 : i32
          %add3A_206 = arith.addi %mul3A_85, %mul3A_205 : i32
          %add3A_207 = arith.constant 96 : i32
          %add3A_208 = arith.addi %add3A_206, %add3A_207 : i32
          %swap3A_209 = arith.index_cast %add3A_208 : i32 to index
          %swap3A_210 = tpu.vector_load %arg8[%swap3A_209] {strides = array<i32>} : memref<28672xf32, #tpu.memory_space<vmem>>, vector<16xf32>,
          %swap3A_211 = vector.shape_cast %swap3A_210 : vector<16xf32> to vector<16xf32>
          %swap3A_212 = vector.shape_cast %broadcast_in_dim3A_144 : vector<16xf32> to vector<16xf32>
          tpu.vector_store %arg8[%swap3A_209], %swap3A_212 {strides = array<i32>} : memref<28672xf32, #tpu.memory_space<vmem>>, vector<16xf32>,
          %mul3A_213 = arith.constant 128 : i32
          %mul3A_214 = arith.muli %scan3A_150, %mul3A_213 : i32
          %add3A_215 = arith.addi %mul3A_85, %mul3A_214 : i32
          %add3A_216 = arith.constant 112 : i32
          %add3A_217 = arith.addi %add3A_215, %add3A_216 : i32
          %swap3A_218 = arith.index_cast %add3A_217 : i32 to index
          %swap3A_219 = tpu.vector_load %arg8[%swap3A_218] {strides = array<i32>} : memref<28672xf32, #tpu.memory_space<vmem>>, vector<16xf32>,
          %swap3A_220 = vector.shape_cast %swap3A_219 : vector<16xf32> to vector<16xf32>
          %swap3A_221 = vector.shape_cast %broadcast_in_dim3A_144 : vector<16xf32> to vector<16xf32>
          tpu.vector_store %arg8[%swap3A_218], %swap3A_221 {strides = array<i32>} : memref<28672xf32, #tpu.memory_space<vmem>>, vector<16xf32>,
          %scan3A_222 = arith.constant 1 : i32
          %scan3A_223 = arith.addi %scan3A_150, %scan3A_222 : i32
          %mul3A_224 = arith.constant 128 : i32
          %mul3A_225 = arith.muli %scan3A_223, %mul3A_224 : i32
          %add3A_226 = arith.addi %mul3A_85, %mul3A_225 : i32
          %add3A_227 = arith.constant 0 : i32
          %add3A_228 = arith.addi %add3A_226, %add3A_227 : i32
          %swap3A_229 = arith.index_cast %add3A_228 : i32 to index
          %swap3A_230 = tpu.vector_load %arg8[%swap3A_229] {strides = array<i32>} : memref<28672xf32, #tpu.memory_space<vmem>>, vector<16xf32>,
          %swap3A_231 = vector.shape_cast %swap3A_230 : vector<16xf32> to vector<16xf32>
          %swap3A_232 = vector.shape_cast %broadcast_in_dim3A_144 : vector<16xf32> to vector<16xf32>
          tpu.vector_store %arg8[%swap3A_229], %swap3A_232 {strides = array<i32>} : memref<28672xf32, #tpu.memory_space<vmem>>, vector<16xf32>,
          %mul3A_233 = arith.constant 128 : i32
          %mul3A_234 = arith.muli %scan3A_223, %mul3A_233 : i32
          %add3A_235 = arith.addi %mul3A_85, %mul3A_234 : i32
          %add3A_236 = arith.constant 16 : i32
          %add3A_237 = arith.addi %add3A_235, %add3A_236 : i32
          %swap3A_238 = arith.index_cast %add3A_237 : i32 to index
          %swap3A_239 = tpu.vector_load %arg8[%swap3A_238] {strides = array<i32>} : memref<28672xf32, #tpu.memory_space<vmem>>, vector<16xf32>,
          %swap3A_240 = vector.shape_cast %swap3A_239 : vector<16xf32> to vector<16xf32>
          %swap3A_241 = vector.shape_cast %broadcast_in_dim3A_144 : vector<16xf32> to vector<16xf32>
          tpu.vector_store %arg8[%swap3A_238], %swap3A_241 {strides = array<i32>} : memref<28672xf32, #tpu.memory_space<vmem>>, vector<16xf32>,
          %mul3A_242 = arith.constant 128 : i32
          %mul3A_243 = arith.muli %scan3A_223, %mul3A_242 : i32
          %add3A_244 = arith.addi %mul3A_85, %mul3A_243 : i32
          %add3A_245 = arith.constant 32 : i32
          %add3A_246 = arith.addi %add3A_244, %add3A_245 : i32
          %swap3A_247 = arith.index_cast %add3A_246 : i32 to index
          %swap3A_248 = tpu.vector_load %arg8[%swap3A_247] {strides = array<i32>} : memref<28672xf32, #tpu.memory_space<vmem>>, vector<16xf32>,
          %swap3A_249 = vector.shape_cast %swap3A_248 : vector<16xf32> to vector<16xf32>
          %swap3A_250 = vector.shape_cast %broadcast_in_dim3A_144 : vector<16xf32> to vector<16xf32>
          tpu.vector_store %arg8[%swap3A_247], %swap3A_250 {strides = array<i32>} : memref<28672xf32, #tpu.memory_space<vmem>>, vector<16xf32>,
          %mul3A_251 = arith.constant 128 : i32
          %mul3A_252 = arith.muli %scan3A_223, %mul3A_251 : i32
          %add3A_253 = arith.addi %mul3A_85, %mul3A_252 : i32
          %add3A_254 = arith.constant 48 : i32
          %add3A_255 = arith.addi %add3A_253, %add3A_254 : i32
          %swap3A_256 = arith.index_cast %add3A_255 : i32 to index
          %swap3A_257 = tpu.vector_load %arg8[%swap3A_256] {strides = array<i32>} : memref<28672xf32, #tpu.memory_space<vmem>>, vector<16xf32>,
          %swap3A_258 = vector.shape_cast %swap3A_257 : vector<16xf32> to vector<16xf32>
          %swap3A_259 = vector.shape_cast %broadcast_in_dim3A_144 : vector<16xf32> to vector<16xf32>
          tpu.vector_store %arg8[%swap3A_256], %swap3A_259 {strides = array<i32>} : memref<28672xf32, #tpu.memory_space<vmem>>, vector<16xf32>,
          %mul3A_260 = arith.constant 128 : i32
          %mul3A_261 = arith.muli %scan3A_223, %mul3A_260 : i32
          %add3A_262 = arith.addi %mul3A_85, %mul3A_261 : i32
          %add3A_263 = arith.constant 64 : i32
          %add3A_264 = arith.addi %add3A_262, %add3A_263 : i32
          %swap3A_265 = arith.index_cast %add3A_264 : i32 to index
          %swap3A_266 = tpu.vector_load %arg8[%swap3A_265] {strides = array<i32>} : memref<28672xf32, #tpu.memory_space<vmem>>, vector<16xf32>,
          %swap3A_267 = vector.shape_cast %swap3A_266 : vector<16xf32> to vector<16xf32>
          %swap3A_268 = vector.shape_cast %broadcast_in_dim3A_144 : vector<16xf32> to vector<16xf32>
          tpu.vector_store %arg8[%swap3A_265], %swap3A_268 {strides = array<i32>} : memref<28672xf32, #tpu.memory_space<vmem>>, vector<16xf32>,
          %mul3A_269 = arith.constant 128 : i32
          %mul3A_270 = arith.muli %scan3A_223, %mul3A_269 : i32
          %add3A_271 = arith.addi %mul3A_85, %mul3A_270 : i32
          %add3A_272 = arith.constant 80 : i32
          %add3A_273 = arith.addi %add3A_271, %add3A_272 : i32
          %swap3A_274 = arith.index_cast %add3A_273 : i32 to index
          %swap3A_275 = tpu.vector_load %arg8[%swap3A_274] {strides = array<i32>} : memref<28672xf32, #tpu.memory_space<vmem>>, vector<16xf32>,
          %swap3A_276 = vector.shape_cast %swap3A_275 : vector<16xf32> to vector<16xf32>
          %swap3A_277 = vector.shape_cast %broadcast_in_dim3A_144 : vector<16xf32> to vector<16xf32>
          tpu.vector_store %arg8[%swap3A_274], %swap3A_277 {strides = array<i32>} : memref<28672xf32, #tpu.memory_space<vmem>>, vector<16xf32>,
          %mul3A_278 = arith.constant 128 : i32
          %mul3A_279 = arith.muli %scan3A_223, %mul3A_278 : i32
          %add3A_280 = arith.addi %mul3A_85, %mul3A_279 : i32
          %add3A_281 = arith.constant 96 : i32
          %add3A_282 = arith.addi %add3A_280, %add3A_281 : i32
          %swap3A_283 = arith.index_cast %add3A_282 : i32 to index
          %swap3A_284 = tpu.vector_load %arg8[%swap3A_283] {strides = array<i32>} : memref<28672xf32, #tpu.memory_space<vmem>>, vector<16xf32>,
          %swap3A_285 = vector.shape_cast %swap3A_284 : vector<16xf32> to vector<16xf32>
          %swap3A_286 = vector.shape_cast %broadcast_in_dim3A_144 : vector<16xf32> to vector<16xf32>
          tpu.vector_store %arg8[%swap3A_283], %swap3A_286 {strides = array<i32>} : memref<28672xf32, #tpu.memory_space<vmem>>, vector<16xf32>,
          %mul3A_287 = arith.constant 128 : i32
          %mul3A_288 = arith.muli %scan3A_223, %mul3A_287 : i32
          %add3A_289 = arith.addi %mul3A_85, %mul3A_288 : i32
          %add3A_290 = arith.constant 112 : i32
          %add3A_291 = arith.addi %add3A_289, %add3A_290 : i32
          %swap3A_292 = arith.index_cast %add3A_291 : i32 to index
          %swap3A_293 = tpu.vector_load %arg8[%swap3A_292] {strides = array<i32>} : memref<28672xf32, #tpu.memory_space<vmem>>, vector<16xf32>,
          %swap3A_294 = vector.shape_cast %swap3A_293 : vector<16xf32> to vector<16xf32>
          %swap3A_295 = vector.shape_cast %broadcast_in_dim3A_144 : vector<16xf32> to vector<16xf32>
          tpu.vector_store %arg8[%swap3A_292], %swap3A_295 {strides = array<i32>} : memref<28672xf32, #tpu.memory_space<vmem>>, vector<16xf32>,
          %scan3A_296 = arith.constant 2 : i32
          %scan3A_297 = arith.addi %scan3A_150, %scan3A_296 : i32
          %mul3A_298 = arith.constant 128 : i32
          %mul3A_299 = arith.muli %scan3A_297, %mul3A_298 : i32
          %add3A_300 = arith.addi %mul3A_85, %mul3A_299 : i32
          %add3A_301 = arith.constant 0 : i32
          %add3A_302 = arith.addi %add3A_300, %add3A_301 : i32
          %swap3A_303 = arith.index_cast %add3A_302 : i32 to index
          %swap3A_304 = tpu.vector_load %arg8[%swap3A_303] {strides = array<i32>} : memref<28672xf32, #tpu.memory_space<vmem>>, vector<16xf32>,
          %swap3A_305 = vector.shape_cast %swap3A_304 : vector<16xf32> to vector<16xf32>
          %swap3A_306 = vector.shape_cast %broadcast_in_dim3A_144 : vector<16xf32> to vector<16xf32>
          tpu.vector_store %arg8[%swap3A_303], %swap3A_306 {strides = array<i32>} : memref<28672xf32, #tpu.memory_space<vmem>>, vector<16xf32>,
          %mul3A_307 = arith.constant 128 : i32
          %mul3A_308 = arith.muli %scan3A_297, %mul3A_307 : i32
          %add3A_309 = arith.addi %mul3A_85, %mul3A_308 : i32
          %add3A_310 = arith.constant 16 : i32
          %add3A_311 = arith.addi %add3A_309, %add3A_310 : i32
          %swap3A_312 = arith.index_cast %add3A_311 : i32 to index
          %swap3A_313 = tpu.vector_load %arg8[%swap3A_312] {strides = array<i32>} : memref<28672xf32, #tpu.memory_space<vmem>>, vector<16xf32>,
          %swap3A_314 = vector.shape_cast %swap3A_313 : vector<16xf32> to vector<16xf32>
          %swap3A_315 = vector.shape_cast %broadcast_in_dim3A_144 : vector<16xf32> to vector<16xf32>
          tpu.vector_store %arg8[%swap3A_312], %swap3A_315 {strides = array<i32>} : memref<28672xf32, #tpu.memory_space<vmem>>, vector<16xf32>,
          %mul3A_316 = arith.constant 128 : i32
          %mul3A_317 = arith.muli %scan3A_297, %mul3A_316 : i32
          %add3A_318 = arith.addi %mul3A_85, %mul3A_317 : i32
          %add3A_319 = arith.constant 32 : i32
          %add3A_320 = arith.addi %add3A_318, %add3A_319 : i32
          %swap3A_321 = arith.index_cast %add3A_320 : i32 to index
          %swap3A_322 = tpu.vector_load %arg8[%swap3A_321] {strides = array<i32>} : memref<28672xf32, #tpu.memory_space<vmem>>, vector<16xf32>,
          %swap3A_323 = vector.shape_cast %swap3A_322 : vector<16xf32> to vector<16xf32>
          %swap3A_324 = vector.shape_cast %broadcast_in_dim3A_144 : vector<16xf32> to vector<16xf32>
          tpu.vector_store %arg8[%swap3A_321], %swap3A_324 {strides = array<i32>} : memref<28672xf32, #tpu.memory_space<vmem>>, vector<16xf32>,
          %mul3A_325 = arith.constant 128 : i32
          %mul3A_326 = arith.muli %scan3A_297, %mul3A_325 : i32
          %add3A_327 = arith.addi %mul3A_85, %mul3A_326 : i32
          %add3A_328 = arith.constant 48 : i32
          %add3A_329 = arith.addi %add3A_327, %add3A_328 : i32
          %swap3A_330 = arith.index_cast %add3A_329 : i32 to index
          %swap3A_331 = tpu.vector_load %arg8[%swap3A_330] {strides = array<i32>} : memref<28672xf32, #tpu.memory_space<vmem>>, vector<16xf32>,
          %swap3A_332 = vector.shape_cast %swap3A_331 : vector<16xf32> to vector<16xf32>
          %swap3A_333 = vector.shape_cast %broadcast_in_dim3A_144 : vector<16xf32> to vector<16xf32>
          tpu.vector_store %arg8[%swap3A_330], %swap3A_333 {strides = array<i32>} : memref<28672xf32, #tpu.memory_space<vmem>>, vector<16xf32>,
          %mul3A_334 = arith.constant 128 : i32
          %mul3A_335 = arith.muli %scan3A_297, %mul3A_334 : i32
          %add3A_336 = arith.addi %mul3A_85, %mul3A_335 : i32
          %add3A_337 = arith.constant 64 : i32
          %add3A_338 = arith.addi %add3A_336, %add3A_337 : i32
          %swap3A_339 = arith.index_cast %add3A_338 : i32 to index
          %swap3A_340 = tpu.vector_load %arg8[%swap3A_339] {strides = array<i32>} : memref<28672xf32, #tpu.memory_space<vmem>>, vector<16xf32>,
          %swap3A_341 = vector.shape_cast %swap3A_340 : vector<16xf32> to vector<16xf32>
          %swap3A_342 = vector.shape_cast %broadcast_in_dim3A_144 : vector<16xf32> to vector<16xf32>
          tpu.vector_store %arg8[%swap3A_339], %swap3A_342 {strides = array<i32>} : memref<28672xf32, #tpu.memory_space<vmem>>, vector<16xf32>,
          %mul3A_343 = arith.constant 128 : i32
          %mul3A_344 = arith.muli %scan3A_297, %mul3A_343 : i32
          %add3A_345 = arith.addi %mul3A_85, %mul3A_344 : i32
          %add3A_346 = arith.constant 80 : i32
          %add3A_347 = arith.addi %add3A_345, %add3A_346 : i32
          %swap3A_348 = arith.index_cast %add3A_347 : i32 to index
          %swap3A_349 = tpu.vector_load %arg8[%swap3A_348] {strides = array<i32>} : memref<28672xf32, #tpu.memory_space<vmem>>, vector<16xf32>,
          %swap3A_350 = vector.shape_cast %swap3A_349 : vector<16xf32> to vector<16xf32>
          %swap3A_351 = vector.shape_cast %broadcast_in_dim3A_144 : vector<16xf32> to vector<16xf32>
          tpu.vector_store %arg8[%swap3A_348], %swap3A_351 {strides = array<i32>} : memref<28672xf32, #tpu.memory_space<vmem>>, vector<16xf32>,
          %mul3A_352 = arith.constant 128 : i32
          %mul3A_353 = arith.muli %scan3A_297, %mul3A_352 : i32
          %add3A_354 = arith.addi %mul3A_85, %mul3A_353 : i32
          %add3A_355 = arith.constant 96 : i32
          %add3A_356 = arith.addi %add3A_354, %add3A_355 : i32
          %swap3A_357 = arith.index_cast %add3A_356 : i32 to index
          %swap3A_358 = tpu.vector_load %arg8[%swap3A_357] {strides = array<i32>} : memref<28672xf32, #tpu.memory_space<vmem>>, vector<16xf32>,
          %swap3A_359 = vector.shape_cast %swap3A_358 : vector<16xf32> to vector<16xf32>
          %swap3A_360 = vector.shape_cast %broadcast_in_dim3A_144 : vector<16xf32> to vector<16xf32>
          tpu.vector_store %arg8[%swap3A_357], %swap3A_360 {strides = array<i32>} : memref<28672xf32, #tpu.memory_space<vmem>>, vector<16xf32>,
          %mul3A_361 = arith.constant 128 : i32
          %mul3A_362 = arith.muli %scan3A_297, %mul3A_361 : i32
          %add3A_363 = arith.addi %mul3A_85, %mul3A_362 : i32
          %add3A_364 = arith.constant 112 : i32
          %add3A_365 = arith.addi %add3A_363, %add3A_364 : i32
          %swap3A_366 = arith.index_cast %add3A_365 : i32 to index
          %swap3A_367 = tpu.vector_load %arg8[%swap3A_366] {strides = array<i32>} : memref<28672xf32, #tpu.memory_space<vmem>>, vector<16xf32>,
          %swap3A_368 = vector.shape_cast %swap3A_367 : vector<16xf32> to vector<16xf32>
          %swap3A_369 = vector.shape_cast %broadcast_in_dim3A_144 : vector<16xf32> to vector<16xf32>
          tpu.vector_store %arg8[%swap3A_366], %swap3A_369 {strides = array<i32>} : memref<28672xf32, #tpu.memory_space<vmem>>, vector<16xf32>,
          %scan3A_370 = arith.constant 3 : i32
          %scan3A_371 = arith.addi %scan3A_150, %scan3A_370 : i32
          %mul3A_372 = arith.constant 128 : i32
          %mul3A_373 = arith.muli %scan3A_371, %mul3A_372 : i32
          %add3A_374 = arith.addi %mul3A_85, %mul3A_373 : i32
          %add3A_375 = arith.constant 0 : i32
          %add3A_376 = arith.addi %add3A_374, %add3A_375 : i32
          %swap3A_377 = arith.index_cast %add3A_376 : i32 to index
          %swap3A_378 = tpu.vector_load %arg8[%swap3A_377] {strides = array<i32>} : memref<28672xf32, #tpu.memory_space<vmem>>, vector<16xf32>,
          %swap3A_379 = vector.shape_cast %swap3A_378 : vector<16xf32> to vector<16xf32>
          %swap3A_380 = vector.shape_cast %broadcast_in_dim3A_144 : vector<16xf32> to vector<16xf32>
          tpu.vector_store %arg8[%swap3A_377], %swap3A_380 {strides = array<i32>} : memref<28672xf32, #tpu.memory_space<vmem>>, vector<16xf32>,
          %mul3A_381 = arith.constant 128 : i32
          %mul3A_382 = arith.muli %scan3A_371, %mul3A_381 : i32
          %add3A_383 = arith.addi %mul3A_85, %mul3A_382 : i32
          %add3A_384 = arith.constant 16 : i32
          %add3A_385 = arith.addi %add3A_383, %add3A_384 : i32
          %swap3A_386 = arith.index_cast %add3A_385 : i32 to index
          %swap3A_387 = tpu.vector_load %arg8[%swap3A_386] {strides = array<i32>} : memref<28672xf32, #tpu.memory_space<vmem>>, vector<16xf32>,
          %swap3A_388 = vector.shape_cast %swap3A_387 : vector<16xf32> to vector<16xf32>
          %swap3A_389 = vector.shape_cast %broadcast_in_dim3A_144 : vector<16xf32> to vector<16xf32>
          tpu.vector_store %arg8[%swap3A_386], %swap3A_389 {strides = array<i32>} : memref<28672xf32, #tpu.memory_space<vmem>>, vector<16xf32>,
          %mul3A_390 = arith.constant 128 : i32
          %mul3A_391 = arith.muli %scan3A_371, %mul3A_390 : i32
          %add3A_392 = arith.addi %mul3A_85, %mul3A_391 : i32
          %add3A_393 = arith.constant 32 : i32
          %add3A_394 = arith.addi %add3A_392, %add3A_393 : i32
          %swap3A_395 = arith.index_cast %add3A_394 : i32 to index
          %swap3A_396 = tpu.vector_load %arg8[%swap3A_395] {strides = array<i32>} : memref<28672xf32, #tpu.memory_space<vmem>>, vector<16xf32>,
          %swap3A_397 = vector.shape_cast %swap3A_396 : vector<16xf32> to vector<16xf32>
          %swap3A_398 = vector.shape_cast %broadcast_in_dim3A_144 : vector<16xf32> to vector<16xf32>
          tpu.vector_store %arg8[%swap3A_395], %swap3A_398 {strides = array<i32>} : memref<28672xf32, #tpu.memory_space<vmem>>, vector<16xf32>,
          %mul3A_399 = arith.constant 128 : i32
          %mul3A_400 = arith.muli %scan3A_371, %mul3A_399 : i32
          %add3A_401 = arith.addi %mul3A_85, %mul3A_400 : i32
          %add3A_402 = arith.constant 48 : i32
          %add3A_403 = arith.addi %add3A_401, %add3A_402 : i32
          %swap3A_404 = arith.index_cast %add3A_403 : i32 to index
          %swap3A_405 = tpu.vector_load %arg8[%swap3A_404] {strides = array<i32>} : memref<28672xf32, #tpu.memory_space<vmem>>, vector<16xf32>,
          %swap3A_406 = vector.shape_cast %swap3A_405 : vector<16xf32> to vector<16xf32>
          %swap3A_407 = vector.shape_cast %broadcast_in_dim3A_144 : vector<16xf32> to vector<16xf32>
          tpu.vector_store %arg8[%swap3A_404], %swap3A_407 {strides = array<i32>} : memref<28672xf32, #tpu.memory_space<vmem>>, vector<16xf32>,
          %mul3A_408 = arith.constant 128 : i32
          %mul3A_409 = arith.muli %scan3A_371, %mul3A_408 : i32
          %add3A_410 = arith.addi %mul3A_85, %mul3A_409 : i32
          %add3A_411 = arith.constant 64 : i32
          %add3A_412 = arith.addi %add3A_410, %add3A_411 : i32
          %swap3A_413 = arith.index_cast %add3A_412 : i32 to index
          %swap3A_414 = tpu.vector_load %arg8[%swap3A_413] {strides = array<i32>} : memref<28672xf32, #tpu.memory_space<vmem>>, vector<16xf32>,
          %swap3A_415 = vector.shape_cast %swap3A_414 : vector<16xf32> to vector<16xf32>
          %swap3A_416 = vector.shape_cast %broadcast_in_dim3A_144 : vector<16xf32> to vector<16xf32>
          tpu.vector_store %arg8[%swap3A_413], %swap3A_416 {strides = array<i32>} : memref<28672xf32, #tpu.memory_space<vmem>>, vector<16xf32>,
          %mul3A_417 = arith.constant 128 : i32
          %mul3A_418 = arith.muli %scan3A_371, %mul3A_417 : i32
          %add3A_419 = arith.addi %mul3A_85, %mul3A_418 : i32
          %add3A_420 = arith.constant 80 : i32
          %add3A_421 = arith.addi %add3A_419, %add3A_420 : i32
          %swap3A_422 = arith.index_cast %add3A_421 : i32 to index
          %swap3A_423 = tpu.vector_load %arg8[%swap3A_422] {strides = array<i32>} : memref<28672xf32, #tpu.memory_space<vmem>>, vector<16xf32>,
          %swap3A_424 = vector.shape_cast %swap3A_423 : vector<16xf32> to vector<16xf32>
          %swap3A_425 = vector.shape_cast %broadcast_in_dim3A_144 : vector<16xf32> to vector<16xf32>
          tpu.vector_store %arg8[%swap3A_422], %swap3A_425 {strides = array<i32>} : memref<28672xf32, #tpu.memory_space<vmem>>, vector<16xf32>,
          %mul3A_426 = arith.constant 128 : i32
          %mul3A_427 = arith.muli %scan3A_371, %mul3A_426 : i32
          %add3A_428 = arith.addi %mul3A_85, %mul3A_427 : i32
          %add3A_429 = arith.constant 96 : i32
          %add3A_430 = arith.addi %add3A_428, %add3A_429 : i32
          %swap3A_431 = arith.index_cast %add3A_430 : i32 to index
          %swap3A_432 = tpu.vector_load %arg8[%swap3A_431] {strides = array<i32>} : memref<28672xf32, #tpu.memory_space<vmem>>, vector<16xf32>,
          %swap3A_433 = vector.shape_cast %swap3A_432 : vector<16xf32> to vector<16xf32>
          %swap3A_434 = vector.shape_cast %broadcast_in_dim3A_144 : vector<16xf32> to vector<16xf32>
          tpu.vector_store %arg8[%swap3A_431], %swap3A_434 {strides = array<i32>} : memref<28672xf32, #tpu.memory_space<vmem>>, vector<16xf32>,
          %mul3A_435 = arith.constant 128 : i32
          %mul3A_436 = arith.muli %scan3A_371, %mul3A_435 : i32
          %add3A_437 = arith.addi %mul3A_85, %mul3A_436 : i32
          %add3A_438 = arith.constant 112 : i32
          %add3A_439 = arith.addi %add3A_437, %add3A_438 : i32
          %swap3A_440 = arith.index_cast %add3A_439 : i32 to index
          %swap3A_441 = tpu.vector_load %arg8[%swap3A_440] {strides = array<i32>} : memref<28672xf32, #tpu.memory_space<vmem>>, vector<16xf32>,
          %swap3A_442 = vector.shape_cast %swap3A_441 : vector<16xf32> to vector<16xf32>
          %swap3A_443 = vector.shape_cast %broadcast_in_dim3A_144 : vector<16xf32> to vector<16xf32>
          tpu.vector_store %arg8[%swap3A_440], %swap3A_443 {strides = array<i32>} : memref<28672xf32, #tpu.memory_space<vmem>>, vector<16xf32>,
        }
        %scan3A_149 = arith.constant 112 : i32
      } else {
      }
      %not3A_126 = arith.constant true
      %not3A_127 = arith.xori %eq3A_99, %not3A_126 : i1
      %convert_element_type3A_128 = arith.extui %not3A_127 : i1 to i32
      %cond3A_129 = arith.constant 0 : i32
      %cond3A_130 = arith.cmpi ne, %convert_element_type3A_128, %cond3A_129 : i32
      scf.if %cond3A_130 {
        %scan3A_144 = arith.constant 0 : i32
        %scan3A_145 = arith.constant 112 : i32
        %scan3A_146 = arith.addi %scan3A_144, %scan3A_145 : i32
        %scan3A_147 = arith.constant 2 : i32
        scf.for %scan3A_149 = %scan3A_144 to %scan3A_146 step %scan3A_147  : i32 {
          %add3A_150 = arith.addi %add3A_80, %scan3A_149 : i32
          %get3A_151 = arith.index_cast %add3A_150 : i32 to index
          %get3A_152 = tpu.vector_load %arg6[%get3A_151] {strides = array<i32>} : memref<1040xi32, #tpu.memory_space<vmem>>, vector<16xi32>,
          %get3A_153 = vector.shape_cast %get3A_152 : vector<16xi32> to vector<16xi32>
          %lt3A_154 = arith.constant 0 : i32
          %lt3A_155 = vector.broadcast %lt3A_154 : i32 to vector<16xi32>
          %lt3A_156 = arith.cmpi slt, %broadcast_in_dim3A_15, %lt3A_155 : vector<16xi32>
          %add3A_157 = arith.constant 16 : i32
          %add3A_158 = vector.broadcast %add3A_157 : i32 to vector<16xi32>
          %add3A_159 = arith.addi %broadcast_in_dim3A_15, %add3A_158 : vector<16xi32>
          %select_n3A_160 = arith.select %lt3A_156, %add3A_159, %broadcast_in_dim3A_15 : vector<16xi1>, vector<16xi32>
          %broadcast_in_dim3A_161 = vector.shape_cast %select_n3A_160 : vector<16xi32> to vector<16x1xi32>
          %gather3A_162 = vector.shape_cast %broadcast_in_dim3A_161 : vector<16x1xi32> to vector<16xi32>
          %gather3A_163 = tpu.dynamic_gather %get3A_153[%gather3A_162] in [0] : vector<16xi32>, vector<16xi32> -> vector<16xi32>
          %lt3A_164 = arith.constant 0 : i32
          %lt3A_165 = vector.broadcast %lt3A_164 : i32 to vector<16xi32>
          %lt3A_166 = arith.cmpi slt, %gather3A_163, %lt3A_165 : vector<16xi32>
          %add3A_167 = arith.constant 16 : i32
          %add3A_168 = vector.broadcast %add3A_167 : i32 to vector<16xi32>
          %add3A_169 = arith.addi %gather3A_163, %add3A_168 : vector<16xi32>
          %select_n3A_170 = arith.select %lt3A_166, %add3A_169, %gather3A_163 : vector<16xi1>, vector<16xi32>
          %broadcast_in_dim3A_171 = vector.shape_cast %select_n3A_170 : vector<16xi32> to vector<16x1xi32>
          %gather3A_172 = vector.shape_cast %broadcast_in_dim3A_171 : vector<16x1xi32> to vector<16xi32>
          %gather3A_173 = tpu.dynamic_gather %get3A_14[%gather3A_172] in [0] : vector<16xf32>, vector<16xi32> -> vector<16xf32>
          %mul3A_174 = arith.constant 128 : i32
          %mul3A_175 = arith.muli %scan3A_149, %mul3A_174 : i32
          %add3A_176 = arith.addi %mul3A_85, %mul3A_175 : i32
          %add3A_177 = arith.constant 0 : i32
          %add3A_178 = arith.addi %add3A_176, %add3A_177 : i32
          %swap3A = arith.index_cast %add3A_178 : i32 to index
          %swap3A_179 = tpu.vector_load %arg8[%swap3A] {strides = array<i32>} : memref<28672xf32, #tpu.memory_space<vmem>>, vector<16xf32>,
          %swap3A_180 = vector.shape_cast %swap3A_179 : vector<16xf32> to vector<16xf32>
          %swap3A_181 = vector.shape_cast %gather3A_173 : vector<16xf32> to vector<16xf32>
          tpu.vector_store %arg8[%swap3A], %swap3A_181 {strides = array<i32>} : memref<28672xf32, #tpu.memory_space<vmem>>, vector<16xf32>,
          %mul3A_182 = arith.constant 128 : i32
          %mul3A_183 = arith.muli %scan3A_149, %mul3A_182 : i32
          %add3A_184 = arith.addi %mul3A_85, %mul3A_183 : i32
          %add3A_185 = arith.constant 16 : i32
          %add3A_186 = arith.addi %add3A_184, %add3A_185 : i32
          %swap3A_187 = arith.index_cast %add3A_186 : i32 to index
          %swap3A_188 = tpu.vector_load %arg8[%swap3A_187] {strides = array<i32>} : memref<28672xf32, #tpu.memory_space<vmem>>, vector<16xf32>,
          %swap3A_189 = vector.shape_cast %swap3A_188 : vector<16xf32> to vector<16xf32>
          %swap3A_190 = vector.shape_cast %gather3A_173 : vector<16xf32> to vector<16xf32>
          tpu.vector_store %arg8[%swap3A_187], %swap3A_190 {strides = array<i32>} : memref<28672xf32, #tpu.memory_space<vmem>>, vector<16xf32>,
          %mul3A_191 = arith.constant 128 : i32
          %mul3A_192 = arith.muli %scan3A_149, %mul3A_191 : i32
          %add3A_193 = arith.addi %mul3A_85, %mul3A_192 : i32
          %add3A_194 = arith.constant 32 : i32
          %add3A_195 = arith.addi %add3A_193, %add3A_194 : i32
          %swap3A_196 = arith.index_cast %add3A_195 : i32 to index
          %swap3A_197 = tpu.vector_load %arg8[%swap3A_196] {strides = array<i32>} : memref<28672xf32, #tpu.memory_space<vmem>>, vector<16xf32>,
          %swap3A_198 = vector.shape_cast %swap3A_197 : vector<16xf32> to vector<16xf32>
          %swap3A_199 = vector.shape_cast %gather3A_173 : vector<16xf32> to vector<16xf32>
          tpu.vector_store %arg8[%swap3A_196], %swap3A_199 {strides = array<i32>} : memref<28672xf32, #tpu.memory_space<vmem>>, vector<16xf32>,
          %mul3A_200 = arith.constant 128 : i32
          %mul3A_201 = arith.muli %scan3A_149, %mul3A_200 : i32
          %add3A_202 = arith.addi %mul3A_85, %mul3A_201 : i32
          %add3A_203 = arith.constant 48 : i32
          %add3A_204 = arith.addi %add3A_202, %add3A_203 : i32
          %swap3A_205 = arith.index_cast %add3A_204 : i32 to index
          %swap3A_206 = tpu.vector_load %arg8[%swap3A_205] {strides = array<i32>} : memref<28672xf32, #tpu.memory_space<vmem>>, vector<16xf32>,
          %swap3A_207 = vector.shape_cast %swap3A_206 : vector<16xf32> to vector<16xf32>
          %swap3A_208 = vector.shape_cast %gather3A_173 : vector<16xf32> to vector<16xf32>
          tpu.vector_store %arg8[%swap3A_205], %swap3A_208 {strides = array<i32>} : memref<28672xf32, #tpu.memory_space<vmem>>, vector<16xf32>,
          %mul3A_209 = arith.constant 128 : i32
          %mul3A_210 = arith.muli %scan3A_149, %mul3A_209 : i32
          %add3A_211 = arith.addi %mul3A_85, %mul3A_210 : i32
          %add3A_212 = arith.constant 64 : i32
          %add3A_213 = arith.addi %add3A_211, %add3A_212 : i32
          %swap3A_214 = arith.index_cast %add3A_213 : i32 to index
          %swap3A_215 = tpu.vector_load %arg8[%swap3A_214] {strides = array<i32>} : memref<28672xf32, #tpu.memory_space<vmem>>, vector<16xf32>,
          %swap3A_216 = vector.shape_cast %swap3A_215 : vector<16xf32> to vector<16xf32>
          %swap3A_217 = vector.shape_cast %gather3A_173 : vector<16xf32> to vector<16xf32>
          tpu.vector_store %arg8[%swap3A_214], %swap3A_217 {strides = array<i32>} : memref<28672xf32, #tpu.memory_space<vmem>>, vector<16xf32>,
          %mul3A_218 = arith.constant 128 : i32
          %mul3A_219 = arith.muli %scan3A_149, %mul3A_218 : i32
          %add3A_220 = arith.addi %mul3A_85, %mul3A_219 : i32
          %add3A_221 = arith.constant 80 : i32
          %add3A_222 = arith.addi %add3A_220, %add3A_221 : i32
          %swap3A_223 = arith.index_cast %add3A_222 : i32 to index
          %swap3A_224 = tpu.vector_load %arg8[%swap3A_223] {strides = array<i32>} : memref<28672xf32, #tpu.memory_space<vmem>>, vector<16xf32>,
          %swap3A_225 = vector.shape_cast %swap3A_224 : vector<16xf32> to vector<16xf32>
          %swap3A_226 = vector.shape_cast %gather3A_173 : vector<16xf32> to vector<16xf32>
          tpu.vector_store %arg8[%swap3A_223], %swap3A_226 {strides = array<i32>} : memref<28672xf32, #tpu.memory_space<vmem>>, vector<16xf32>,
          %mul3A_227 = arith.constant 128 : i32
          %mul3A_228 = arith.muli %scan3A_149, %mul3A_227 : i32
          %add3A_229 = arith.addi %mul3A_85, %mul3A_228 : i32
          %add3A_230 = arith.constant 96 : i32
          %add3A_231 = arith.addi %add3A_229, %add3A_230 : i32
          %swap3A_232 = arith.index_cast %add3A_231 : i32 to index
          %swap3A_233 = tpu.vector_load %arg8[%swap3A_232] {strides = array<i32>} : memref<28672xf32, #tpu.memory_space<vmem>>, vector<16xf32>,
          %swap3A_234 = vector.shape_cast %swap3A_233 : vector<16xf32> to vector<16xf32>
          %swap3A_235 = vector.shape_cast %gather3A_173 : vector<16xf32> to vector<16xf32>
          tpu.vector_store %arg8[%swap3A_232], %swap3A_235 {strides = array<i32>} : memref<28672xf32, #tpu.memory_space<vmem>>, vector<16xf32>,
          %mul3A_236 = arith.constant 128 : i32
          %mul3A_237 = arith.muli %scan3A_149, %mul3A_236 : i32
          %add3A_238 = arith.addi %mul3A_85, %mul3A_237 : i32
          %add3A_239 = arith.constant 112 : i32
          %add3A_240 = arith.addi %add3A_238, %add3A_239 : i32
          %swap3A_241 = arith.index_cast %add3A_240 : i32 to index
          %swap3A_242 = tpu.vector_load %arg8[%swap3A_241] {strides = array<i32>} : memref<28672xf32, #tpu.memory_space<vmem>>, vector<16xf32>,
          %swap3A_243 = vector.shape_cast %swap3A_242 : vector<16xf32> to vector<16xf32>
          %swap3A_244 = vector.shape_cast %gather3A_173 : vector<16xf32> to vector<16xf32>
          tpu.vector_store %arg8[%swap3A_241], %swap3A_244 {strides = array<i32>} : memref<28672xf32, #tpu.memory_space<vmem>>, vector<16xf32>,
          %scan3A_245 = arith.constant 1 : i32
          %scan3A_246 = arith.addi %scan3A_149, %scan3A_245 : i32
          %add3A_247 = arith.addi %add3A_80, %scan3A_246 : i32
          %get3A_248 = arith.index_cast %add3A_247 : i32 to index
          %get3A_249 = tpu.vector_load %arg6[%get3A_248] {strides = array<i32>} : memref<1040xi32, #tpu.memory_space<vmem>>, vector<16xi32>,
          %get3A_250 = vector.shape_cast %get3A_249 : vector<16xi32> to vector<16xi32>
          %lt3A_251 = arith.constant 0 : i32
          %lt3A_252 = vector.broadcast %lt3A_251 : i32 to vector<16xi32>
          %lt3A_253 = arith.cmpi slt, %broadcast_in_dim3A_15, %lt3A_252 : vector<16xi32>
          %add3A_254 = arith.constant 16 : i32
          %add3A_255 = vector.broadcast %add3A_254 : i32 to vector<16xi32>
          %add3A_256 = arith.addi %broadcast_in_dim3A_15, %add3A_255 : vector<16xi32>
          %select_n3A_257 = arith.select %lt3A_253, %add3A_256, %broadcast_in_dim3A_15 : vector<16xi1>, vector<16xi32>
          %broadcast_in_dim3A_258 = vector.shape_cast %select_n3A_257 : vector<16xi32> to vector<16x1xi32>
          %gather3A_259 = vector.shape_cast %broadcast_in_dim3A_258 : vector<16x1xi32> to vector<16xi32>
          %gather3A_260 = tpu.dynamic_gather %get3A_250[%gather3A_259] in [0] : vector<16xi32>, vector<16xi32> -> vector<16xi32>
          %lt3A_261 = arith.constant 0 : i32
          %lt3A_262 = vector.broadcast %lt3A_261 : i32 to vector<16xi32>
          %lt3A_263 = arith.cmpi slt, %gather3A_260, %lt3A_262 : vector<16xi32>
          %add3A_264 = arith.constant 16 : i32
          %add3A_265 = vector.broadcast %add3A_264 : i32 to vector<16xi32>
          %add3A_266 = arith.addi %gather3A_260, %add3A_265 : vector<16xi32>
          %select_n3A_267 = arith.select %lt3A_263, %add3A_266, %gather3A_260 : vector<16xi1>, vector<16xi32>
          %broadcast_in_dim3A_268 = vector.shape_cast %select_n3A_267 : vector<16xi32> to vector<16x1xi32>
          %gather3A_269 = vector.shape_cast %broadcast_in_dim3A_268 : vector<16x1xi32> to vector<16xi32>
          %gather3A_270 = tpu.dynamic_gather %get3A_14[%gather3A_269] in [0] : vector<16xf32>, vector<16xi32> -> vector<16xf32>
          %mul3A_271 = arith.constant 128 : i32
          %mul3A_272 = arith.muli %scan3A_246, %mul3A_271 : i32
          %add3A_273 = arith.addi %mul3A_85, %mul3A_272 : i32
          %add3A_274 = arith.constant 0 : i32
          %add3A_275 = arith.addi %add3A_273, %add3A_274 : i32
          %swap3A_276 = arith.index_cast %add3A_275 : i32 to index
          %swap3A_277 = tpu.vector_load %arg8[%swap3A_276] {strides = array<i32>} : memref<28672xf32, #tpu.memory_space<vmem>>, vector<16xf32>,
          %swap3A_278 = vector.shape_cast %swap3A_277 : vector<16xf32> to vector<16xf32>
          %swap3A_279 = vector.shape_cast %gather3A_270 : vector<16xf32> to vector<16xf32>
          tpu.vector_store %arg8[%swap3A_276], %swap3A_279 {strides = array<i32>} : memref<28672xf32, #tpu.memory_space<vmem>>, vector<16xf32>,
          %mul3A_280 = arith.constant 128 : i32
          %mul3A_281 = arith.muli %scan3A_246, %mul3A_280 : i32
          %add3A_282 = arith.addi %mul3A_85, %mul3A_281 : i32
          %add3A_283 = arith.constant 16 : i32
          %add3A_284 = arith.addi %add3A_282, %add3A_283 : i32
          %swap3A_285 = arith.index_cast %add3A_284 : i32 to index
          %swap3A_286 = tpu.vector_load %arg8[%swap3A_285] {strides = array<i32>} : memref<28672xf32, #tpu.memory_space<vmem>>, vector<16xf32>,
          %swap3A_287 = vector.shape_cast %swap3A_286 : vector<16xf32> to vector<16xf32>
          %swap3A_288 = vector.shape_cast %gather3A_270 : vector<16xf32> to vector<16xf32>
          tpu.vector_store %arg8[%swap3A_285], %swap3A_288 {strides = array<i32>} : memref<28672xf32, #tpu.memory_space<vmem>>, vector<16xf32>,
          %mul3A_289 = arith.constant 128 : i32
          %mul3A_290 = arith.muli %scan3A_246, %mul3A_289 : i32
          %add3A_291 = arith.addi %mul3A_85, %mul3A_290 : i32
          %add3A_292 = arith.constant 32 : i32
          %add3A_293 = arith.addi %add3A_291, %add3A_292 : i32
          %swap3A_294 = arith.index_cast %add3A_293 : i32 to index
          %swap3A_295 = tpu.vector_load %arg8[%swap3A_294] {strides = array<i32>} : memref<28672xf32, #tpu.memory_space<vmem>>, vector<16xf32>,
          %swap3A_296 = vector.shape_cast %swap3A_295 : vector<16xf32> to vector<16xf32>
          %swap3A_297 = vector.shape_cast %gather3A_270 : vector<16xf32> to vector<16xf32>
          tpu.vector_store %arg8[%swap3A_294], %swap3A_297 {strides = array<i32>} : memref<28672xf32, #tpu.memory_space<vmem>>, vector<16xf32>,
          %mul3A_298 = arith.constant 128 : i32
          %mul3A_299 = arith.muli %scan3A_246, %mul3A_298 : i32
          %add3A_300 = arith.addi %mul3A_85, %mul3A_299 : i32
          %add3A_301 = arith.constant 48 : i32
          %add3A_302 = arith.addi %add3A_300, %add3A_301 : i32
          %swap3A_303 = arith.index_cast %add3A_302 : i32 to index
          %swap3A_304 = tpu.vector_load %arg8[%swap3A_303] {strides = array<i32>} : memref<28672xf32, #tpu.memory_space<vmem>>, vector<16xf32>,
          %swap3A_305 = vector.shape_cast %swap3A_304 : vector<16xf32> to vector<16xf32>
          %swap3A_306 = vector.shape_cast %gather3A_270 : vector<16xf32> to vector<16xf32>
          tpu.vector_store %arg8[%swap3A_303], %swap3A_306 {strides = array<i32>} : memref<28672xf32, #tpu.memory_space<vmem>>, vector<16xf32>,
          %mul3A_307 = arith.constant 128 : i32
          %mul3A_308 = arith.muli %scan3A_246, %mul3A_307 : i32
          %add3A_309 = arith.addi %mul3A_85, %mul3A_308 : i32
          %add3A_310 = arith.constant 64 : i32
          %add3A_311 = arith.addi %add3A_309, %add3A_310 : i32
          %swap3A_312 = arith.index_cast %add3A_311 : i32 to index
          %swap3A_313 = tpu.vector_load %arg8[%swap3A_312] {strides = array<i32>} : memref<28672xf32, #tpu.memory_space<vmem>>, vector<16xf32>,
          %swap3A_314 = vector.shape_cast %swap3A_313 : vector<16xf32> to vector<16xf32>
          %swap3A_315 = vector.shape_cast %gather3A_270 : vector<16xf32> to vector<16xf32>
          tpu.vector_store %arg8[%swap3A_312], %swap3A_315 {strides = array<i32>} : memref<28672xf32, #tpu.memory_space<vmem>>, vector<16xf32>,
          %mul3A_316 = arith.constant 128 : i32
          %mul3A_317 = arith.muli %scan3A_246, %mul3A_316 : i32
          %add3A_318 = arith.addi %mul3A_85, %mul3A_317 : i32
          %add3A_319 = arith.constant 80 : i32
          %add3A_320 = arith.addi %add3A_318, %add3A_319 : i32
          %swap3A_321 = arith.index_cast %add3A_320 : i32 to index
          %swap3A_322 = tpu.vector_load %arg8[%swap3A_321] {strides = array<i32>} : memref<28672xf32, #tpu.memory_space<vmem>>, vector<16xf32>,
          %swap3A_323 = vector.shape_cast %swap3A_322 : vector<16xf32> to vector<16xf32>
          %swap3A_324 = vector.shape_cast %gather3A_270 : vector<16xf32> to vector<16xf32>
          tpu.vector_store %arg8[%swap3A_321], %swap3A_324 {strides = array<i32>} : memref<28672xf32, #tpu.memory_space<vmem>>, vector<16xf32>,
          %mul3A_325 = arith.constant 128 : i32
          %mul3A_326 = arith.muli %scan3A_246, %mul3A_325 : i32
          %add3A_327 = arith.addi %mul3A_85, %mul3A_326 : i32
          %add3A_328 = arith.constant 96 : i32
          %add3A_329 = arith.addi %add3A_327, %add3A_328 : i32
          %swap3A_330 = arith.index_cast %add3A_329 : i32 to index
          %swap3A_331 = tpu.vector_load %arg8[%swap3A_330] {strides = array<i32>} : memref<28672xf32, #tpu.memory_space<vmem>>, vector<16xf32>,
          %swap3A_332 = vector.shape_cast %swap3A_331 : vector<16xf32> to vector<16xf32>
          %swap3A_333 = vector.shape_cast %gather3A_270 : vector<16xf32> to vector<16xf32>
          tpu.vector_store %arg8[%swap3A_330], %swap3A_333 {strides = array<i32>} : memref<28672xf32, #tpu.memory_space<vmem>>, vector<16xf32>,
          %mul3A_334 = arith.constant 128 : i32
          %mul3A_335 = arith.muli %scan3A_246, %mul3A_334 : i32
          %add3A_336 = arith.addi %mul3A_85, %mul3A_335 : i32
          %add3A_337 = arith.constant 112 : i32
          %add3A_338 = arith.addi %add3A_336, %add3A_337 : i32
          %swap3A_339 = arith.index_cast %add3A_338 : i32 to index
          %swap3A_340 = tpu.vector_load %arg8[%swap3A_339] {strides = array<i32>} : memref<28672xf32, #tpu.memory_space<vmem>>, vector<16xf32>,
          %swap3A_341 = vector.shape_cast %swap3A_340 : vector<16xf32> to vector<16xf32>
          %swap3A_342 = vector.shape_cast %gather3A_270 : vector<16xf32> to vector<16xf32>
          tpu.vector_store %arg8[%swap3A_339], %swap3A_342 {strides = array<i32>} : memref<28672xf32, #tpu.memory_space<vmem>>, vector<16xf32>,
        }
        %scan3A_148 = arith.constant 112 : i32
      } else {
      }
      %add3A_131 = arith.addi %mul3A_2, %add3A_80 : i32
      %mul3A_132 = arith.constant 128 : i32
      %mul3A_133 = arith.muli %add3A_131, %mul3A_132 : i32
      %dma_start3A_134 = tpu.memref_slice %arg8[%mul3A_85] : memref<28672xf32, #tpu.memory_space<vmem>> -> memref<14336xf32, #tpu.memory_space<vmem>>
      %dma_start3A_135 = tpu.memref_slice %arg4[%mul3A_133] : memref<4194304xf32, #tpu.memory_space<hbm>> -> memref<14336xf32, #tpu.memory_space<hbm>>
      %dma_start3A_136 = tpu.memref_slice %arg12[%rem3A_81] : memref<2x!tpu.dma_semaphore, #tpu.memory_space<semaphore_mem>> -> memref<1x!tpu.dma_semaphore, #tpu.memory_space<semaphore_mem>>
      %dma_start3A_137 = tpu.memref_squeeze %dma_start3A_136 : memref<1x!tpu.dma_semaphore, #tpu.memory_space<semaphore_mem>> -> memref<!tpu.dma_semaphore, #tpu.memory_space<semaphore_mem>>
      %dma_start3A_138 = tpu.memref_slice %arg4[%mul3A_133] : memref<4194304xf32, #tpu.memory_space<hbm>> -> memref<14336xf32, #tpu.memory_space<hbm>>
      %dma_start3A_139 = tpu.memref_slice %arg8[%mul3A_85] : memref<28672xf32, #tpu.memory_space<vmem>> -> memref<14336xf32, #tpu.memory_space<vmem>>
      tpu.enqueue_dma source(%dma_start3A_139 : memref<14336xf32, #tpu.memory_space<vmem>>) target(%dma_start3A_138 : memref<14336xf32, #tpu.memory_space<hbm>>) target_semaphore(%dma_start3A_137 : memref<!tpu.dma_semaphore, #tpu.memory_space<semaphore_mem>>)
      %select_n3A_140 = arith.select %eq3A_83, %eq3A_99, %scan3A_73 : i1
      %select_n3A_141 = arith.select %eq3A_83, %squeeze3A_111, %scan3A_74 : f32
      %select_n3A_142 = arith.select %eq3A_83, %scan3A_75, %eq3A_99 : i1
      %select_n3A_143 = arith.select %eq3A_83, %scan3A_76, %squeeze3A_111 : f32
      scf.yield %select_n3A_140, %select_n3A_141, %select_n3A_142, %select_n3A_143 : i1, f32, i1, f32
    }
    %scan3A_47 = arith.constant 9 : i32
    %dma_wait3A_48 = arith.constant 0 : i32
    %dma_wait3A_49 = arith.constant 0 : i32
    %dma_wait3A_50 = tpu.memref_slice %arg8[%dma_wait3A_49] : memref<28672xf32, #tpu.memory_space<vmem>> -> memref<14336xf32, #tpu.memory_space<vmem>>
    %dma_wait3A_51 = arith.constant 0 : i32
    %dma_wait3A_52 = tpu.memref_slice %arg4[%dma_wait3A_51] : memref<4194304xf32, #tpu.memory_space<hbm>> -> memref<14336xf32, #tpu.memory_space<hbm>>
    %dma_wait3A_53 = tpu.memref_slice %arg12[%dma_wait3A_48] : memref<2x!tpu.dma_semaphore, #tpu.memory_space<semaphore_mem>> -> memref<1x!tpu.dma_semaphore, #tpu.memory_space<semaphore_mem>>
    %dma_wait3A_54 = tpu.memref_squeeze %dma_wait3A_53 : memref<1x!tpu.dma_semaphore, #tpu.memory_space<semaphore_mem>> -> memref<!tpu.dma_semaphore, #tpu.memory_space<semaphore_mem>>
    %dma_wait3A_55 = arith.constant 0 : i32
    %dma_wait3A_56 = tpu.memref_slice %arg8[%dma_wait3A_55] : memref<28672xf32, #tpu.memory_space<vmem>> -> memref<14336xf32, #tpu.memory_space<vmem>>
    %dma_wait3A_57 = arith.constant 0 : i32
    %dma_wait3A_58 = tpu.memref_slice %arg4[%dma_wait3A_57] : memref<4194304xf32, #tpu.memory_space<hbm>> -> memref<14336xf32, #tpu.memory_space<hbm>>
    tpu.wait_dma2 semaphore(%dma_wait3A_54 : memref<!tpu.dma_semaphore, #tpu.memory_space<semaphore_mem>>) src(%dma_wait3A_58 : memref<14336xf32, #tpu.memory_space<hbm>>) dst(%dma_wait3A_56 : memref<14336xf32, #tpu.memory_space<vmem>>)
    %dma_wait3A_59 = arith.constant 1 : i32
    %dma_wait3A_60 = arith.constant 14336 : i32
    %dma_wait3A_61 = tpu.memref_slice %arg8[%dma_wait3A_60] : memref<28672xf32, #tpu.memory_space<vmem>> -> memref<14336xf32, #tpu.memory_space<vmem>>
    %dma_wait3A_62 = arith.constant 0 : i32
    %dma_wait3A_63 = tpu.memref_slice %arg4[%dma_wait3A_62] : memref<4194304xf32, #tpu.memory_space<hbm>> -> memref<14336xf32, #tpu.memory_space<hbm>>
    %dma_wait3A_64 = tpu.memref_slice %arg12[%dma_wait3A_59] : memref<2x!tpu.dma_semaphore, #tpu.memory_space<semaphore_mem>> -> memref<1x!tpu.dma_semaphore, #tpu.memory_space<semaphore_mem>>
    %dma_wait3A_65 = tpu.memref_squeeze %dma_wait3A_64 : memref<1x!tpu.dma_semaphore, #tpu.memory_space<semaphore_mem>> -> memref<!tpu.dma_semaphore, #tpu.memory_space<semaphore_mem>>
    %dma_wait3A_66 = arith.constant 14336 : i32
    %dma_wait3A_67 = tpu.memref_slice %arg8[%dma_wait3A_66] : memref<28672xf32, #tpu.memory_space<vmem>> -> memref<14336xf32, #tpu.memory_space<vmem>>
    %dma_wait3A_68 = arith.constant 0 : i32
    %dma_wait3A_69 = tpu.memref_slice %arg4[%dma_wait3A_68] : memref<4194304xf32, #tpu.memory_space<hbm>> -> memref<14336xf32, #tpu.memory_space<hbm>>
    tpu.wait_dma2 semaphore(%dma_wait3A_65 : memref<!tpu.dma_semaphore, #tpu.memory_space<semaphore_mem>>) src(%dma_wait3A_69 : memref<14336xf32, #tpu.memory_space<hbm>>) dst(%dma_wait3A_67 : memref<14336xf32, #tpu.memory_space<vmem>>)
    %dma_wait3A_70 = tpu.memref_slice %arg4[%mul3A_36] : memref<4194304xf32, #tpu.memory_space<hbm>> -> memref<2048xf32, #tpu.memory_space<hbm>>
    %dma_wait3A_71 = tpu.memref_slice %arg4[%mul3A_36] : memref<4194304xf32, #tpu.memory_space<hbm>> -> memref<2048xf32, #tpu.memory_space<hbm>>
    tpu.wait_dma2 semaphore(%arg11 : memref<!tpu.dma_semaphore, #tpu.memory_space<semaphore_mem>>) src(%arg7 : memref<2048xf32, #tpu.memory_space<vmem>>) dst(%dma_wait3A_71 : memref<2048xf32, #tpu.memory_space<hbm>>)
    return
  }
}

</mosaic_0001>

<sc_bundles>
// kernel: kernel.3.cloned.1.call-start
scs
__scs_entry_jumppad:
0x0: {  	(pc) =	sbr.rel $0x88, $3  }
0x1: {  	(tag) =	ssettag $0x0;
	lr =	simm.s32 $0x1  }
0x2: {  	[smem:$0x3F9F] =	sst lr;
	_ =	strace $0xD0000000  }
0x3: {  	_ = 	snop  }
0x4: {  	_ = 	snop  }
0x5: {  	_ = 	snop  }
0x6: {  	_ = 	snop  }
0x7: {  	_ = 	snop  }
__scs_overlays_trampoline_lowered:
0x8: {  	[smem:$0x3FAE] =	sst s0  }
0x9: {  	[smem:$0x3FAF] =	sst s1  }
0xa: {  	[smem:$0x3FB0] =	sst s2  }
0xb: {  	[smem:$0x3FB1] =	sst s3  }
0xc: {  	[smem:$0x3FB2] =	sst s4  }
0xd: {  	[smem:$0x3FB3] =	sst s5  }
0xe: {  	[smem:$0x3FB4] =	sst s6  }
0xf: {  	[smem:$0x3FB5] =	sst s7  }
0x10: {  	[smem:$0x3FB6] =	sst s8  }
0x11: {  	[smem:$0x3FB7] =	sst s9;
	s0 =	simm.s32 @!p0 $0x0  }
0x12: {  	s1 =	sld [smem:$0x3F9D];
	s0 =	simm.s32 @p0 $0x1  }
0x13: {  	[smem:$0x3FB8] =	sst s0;
	s0 =	simm.s32 @!p1 $0x0  }
0x14: {  	s2 =	sld [smem:$0x3F9C];
	s0 =	simm.s32 @p1 $0x1  }
0x15: {  	[smem:$0x3FB9] =	sst s0;
	s0 =	simm.s32 @!p2 $0x0  }
0x16: {  	s3 =	sld [smem:$0x3FDB];
	s0 =	simm.s32 @p2 $0x1  }
0x17: {  	s4 =	simm.s32 $0x1BF5;
	[smem:$0x3FBB] =	sst s0  }
0x18: {  	s0 =	sld [smem:$0x3F9E];
	_ =	swait.ge [sflag:s4], $0x0  }
0x19: {  	s7 =	sld [smem:$0x3F9F]  }
0x1a: {  	s8 =	sadd.s32 $0xFFFFE003, lr  }
0x1b: {  	s9 =	sadd.s32 $0xFFFFFEF7, lr;
	s5 =	simm.s32 $0xFFFFFFFF;
	p2 =	slt.u32 s8, $0xFFFFF086  }
0x1c: {  	p1 =	slt.u32 s9, $0xF7A;
	s5 =	simm.s32 @!p2 $0x0  }
0x1d: {  	s5 =	simm.s32 @p1 $0x1;
	p0 =	seq.s32 s7, s2  }
0x1e: {  	s7 =	smul.u32 @!p0 $0xF7A, s2;
	p2 =	seq.s32 @!p0 s5, $0x0  }
0x1f: {  	s9 =	smul.u32 $0xF7A, s1;
	s8 =	simm.s32 @!p0 $0x1BF5;
	p2 =	por !p2, p0  }
0x20: {  	[sflag:s8] =	ssyncset.s32 @!p0 $0xFFFFF086;
	s6 =	sadd.s32 @!p0 s3, s7;
	s7 =	simm.s32 @!p0 $0x108  }
0x21: {  	s3 =	sadd.s32 s3, s9;
	s6 =	sadd.s32 @!p0 $0x88, s6;
	s7 =	simm.s32 @p2 $0x1082  }
0x22: {  	[simem:s7], [sflag:s8] =	dma.local @!p0 [hbm:s6], $0xF7A  }
0x23: {  	s9 =	sor.u32 $0xD0000000, s2;
	s6 =	simm.s32 $0x108;
	_ =	swait.ge @!p0 [sflag:s8], $0x0  }
0x24: {  	s3 =	sadd.s32 $0x88, s3;
	s6 =	simm.s32 @!p1 $0x1082;
	[sflag:s4] =	ssyncset.s32 $0xFFFFF086  }
0x25: {  	[simem:s6], [sflag:s4] =	dma.local [hbm:s3], $0xF7A  }
0x26: {  	[smem:$0x3F9F] =	sst s1;
	(tag) =	ssettag s2;
	_ =	strace s9  }
0x27: {  	s1 =	sld [smem:$0x3FAF]  }
0x28: {  	s2 =	sld [smem:$0x3FB0]  }
0x29: {  	s4 =	sld [smem:$0x3FB2]  }
0x2a: {  	p0 =	seq.s32 s5, $0x0;
	s5 =	sld [smem:$0x3FB3]  }
0x2b: {  	s6 =	sld [smem:$0x3FB4]  }
0x2c: {  	s7 =	sld [smem:$0x3FB5]  }
0x2d: {  	s3 =	simm.s32 $0x108;
	s8 =	sld [smem:$0x3FB6]  }
0x2e: {  	s3 =	simm.s32 @!p0 $0x1082;
	s9 =	sld [smem:$0x3FB7]  }
0x2f: {  	lr =	sadd.s32 s0, s3;
	s0 =	sld [smem:$0x3FAE]  }
0x30: {  	s3 =	sld [smem:$0x3FB1]  }
0x31: {  	[smem:$0x3FBA] =	sst s10  }
0x32: {  	s10 =	sld [smem:$0x3FB8];
	_ =	sdelay $0x3  }
0x33: {  	p0 =	seq.s32 s10, $0x1;
	s10 =	sld [smem:$0x3FBA];
	_ =	sdelay $0x3  }
0x34: {  	[smem:$0x3FBA] =	sst s10  }
0x35: {  	s10 =	sld [smem:$0x3FB9];
	_ =	sdelay $0x3  }
0x36: {  	p1 =	seq.s32 s10, $0x1;
	s10 =	sld [smem:$0x3FBA];
	_ =	sdelay $0x3  }
0x37: {  	[smem:$0x3FBA] =	sst s10  }
0x38: {  	s10 =	sld [smem:$0x3FBB]  }
0x39: {  	_ = 	snop;
	(pc) =	sbr.ind lr, $3  }
0x3a: {  	_ = 	snop  }
0x3b: {  	_ = 	snop  }
0x3c: {  	p2 =	seq.s32 s10, $0x1;
	s10 =	sld [smem:$0x3FBA]  }
0x3d: {  	_ =	shalt  }
0x3e: {  	_ =	shalt  }
0x3f: {  	_ =	shalt  }
0x40: {  	_ =	shalt  }
0x41: {  	_ =	shalt  }
0x42: {  	_ =	shalt  }
0x43: {  	_ =	shalt  }
0x44: {  	_ =	shalt  }
0x45: {  	_ =	shalt  }
0x46: {  	_ =	shalt  }
0x47: {  	_ =	shalt  }
0x48: {  	_ =	shalt  }
0x49: {  	_ =	shalt  }
0x4a: {  	_ =	shalt  }
0x4b: {  	_ =	shalt  }
0x4c: {  	_ =	shalt  }
0x4d: {  	_ =	shalt  }
0x4e: {  	_ =	shalt  }
0x4f: {  	_ =	shalt  }
0x50: {  	_ =	shalt  }
0x51: {  	_ =	shalt  }
0x52: {  	_ =	shalt  }
0x53: {  	_ =	shalt  }
0x54: {  	_ =	shalt  }
0x55: {  	_ =	shalt  }
0x56: {  	_ =	shalt  }
0x57: {  	_ =	shalt  }
0x58: {  	_ =	shalt  }
0x59: {  	_ =	shalt  }
0x5a: {  	_ =	shalt  }
0x5b: {  	_ =	shalt  }
0x5c: {  	_ =	shalt  }
0x5d: {  	_ =	shalt  }
0x5e: {  	_ =	shalt  }
0x5f: {  	_ =	shalt  }
0x60: {  	_ =	shalt  }
0x61: {  	_ =	shalt  }
0x62: {  	_ =	shalt  }
0x63: {  	_ =	shalt  }
0x64: {  	_ =	shalt  }
0x65: {  	_ =	shalt  }
0x66: {  	_ =	shalt  }
0x67: {  	_ =	shalt  }
0x68: {  	_ =	shalt  }
0x69: {  	_ =	shalt  }
0x6a: {  	_ =	shalt  }
0x6b: {  	_ =	shalt  }
0x6c: {  	_ =	shalt  }
0x6d: {  	_ =	shalt  }
0x6e: {  	_ =	shalt  }
0x6f: {  	_ =	shalt  }
0x70: {  	_ =	shalt  }
0x71: {  	_ =	shalt  }
0x72: {  	_ =	shalt  }
0x73: {  	_ =	shalt  }
0x74: {  	_ =	shalt  }
0x75: {  	_ =	shalt  }
0x76: {  	_ =	shalt  }
0x77: {  	_ =	shalt  }
0x78: {  	_ =	shalt  }
0x79: {  	_ =	shalt  }
0x7a: {  	_ =	shalt  }
0x7b: {  	_ =	shalt  }
0x7c: {  	_ =	shalt  }
0x7d: {  	_ =	shalt  }
0x7e: {  	_ =	shalt  }
0x7f: {  	_ =	shalt  }
0x80: {  	_ =	shalt  }
0x81: {  	_ =	shalt  }
0x82: {  	_ =	shalt  }
0x83: {  	_ =	shalt  }
0x84: {  	_ =	shalt  }
0x85: {  	_ =	shalt  }
0x86: {  	_ =	shalt  }
0x87: {  	_ =	shalt  }
.Lfunc_end0:
.L_simem_size_0:
called_computation_lowered:
.L_overlay_start_0:
0x88: {  	s2 =	sld [smem:$0x3FD9]  }
0x89: {  	s3 =	sld [smem:$0x3FFE];
	_ =	sdelay $0x1  }
0x8a: {  	s1 =	srdreg.scid  }
0x8b: {  	s0 =	sand.u32 $0x1, s1  }
0x8c: {  	s18 =	sshll.u32 s0, $0xA;
	s2 =	sadd.s32 s3, s2  }
0x8d: {  	s2 =	sadd.s32 s2, s18  }
0x8e: {  	[smem:$0x3FC6] =	sst s2  }
0x8f: {  	_ = 	snop  }
0x90: {  	s2 =	sld [smem:$0x3FC9]  }
0x91: {  	s19 =	sld [smem:$0x3FC8]  }
0x92: {  	s4 =	sld [smem:$0x3FD0];
	(tm) =	ssettm $0x1  }
0x93: {  	s5 =	sld [smem:$0x3FFB];
	_ =	sdelay $0x3  }
0x94: {  	_ =	strace s5  }
0x95: {  	s5 =	sld [smem:$0x3FFC];
	_ =	sdelay $0x3  }
0x96: {  	_ =	strace s5  }
0x97: {  	s5 =	sld [smem:$0x3FFD];
	_ =	sdelay $0x3  }
0x98: {  	_ =	strace s5  }
0x99: {  	_ =	strace $0x8FFFFFFF  }
0x9a: {  	s20 =	sld [smem:$0x3FDB];
	_ =	sdelay $0x1  }
0x9b: {  	s6 =	simm.s32 $_scs_section_size  }
0x9c: {  	s7 =	simm.s32 $_size__tile_overlayer_lowered;
	s8 =	simm.s32 $_tile_overlayer_lowered  }
0x9d: {  	s23 =	simm.s32 $0x1BFF;
	s22 =	sshll.u32 s8, $0x1;
	s5 =	sadd.s32 s6, s20  }
0x9e: {  	s9 =	simm.s32 $0x0;
	s21 =	sshll.u32 s7, $0x1;
	s7 =	sadd.s32 s22, s5  }
0x9f: {  	[timem:s9], [sflag:s23] =	dma.local [hbm:s7], s21  }
0xa0: {  	_ =	swait.ge [sflag:s23], s21  }
0xa1: {  	s6 =	ssub.s32 $0x0, s21;
	[sflag:s23] =	ssyncset.done $0x0  }
0xa2: {  	[sflag:s23] =	ssyncadd.s32 s6;
	_ =	sdelay $0x1  }
0xa3: {  	s24 =	simm.s32 $0x1B8B  }
0xa4: {  	_ =	swait.ge [sflag:s24], $0x1  }
0xa5: {  	[sflag:s24] =	ssyncset.done $0x0  }
0xa6: {  	s25 =	simm.s32 $0x1B8E;
	[sflag:s24] =	ssyncadd.s32 $0xFFFFFFFF  }
0xa7: {  	s26 =	simm.s32 $execute0_lowered;
	[smem:$0x3FD2] =	sst s25  }
0xa8: {  	s6 =	sshll.u32 s26, $0x1;
	_ =	strace $0x80000046;
	[dreg:$0x1] =	wrdreg $0xFFFFFFFF  }
0xa9: {  	s28 =	simm.s32 $_size_execute0_lowered;
	s5 =	sadd.s32 s5, s6;
	[dreg:$0x0] =	wrdreg $0x0  }
0xaa: {  	s6 =	sshll.u32 s28, $0x1;
	[dreg:$0x2] =	wrdreg s5  }
0xab: {  	[dreg:$0x3] =	wrdreg s6  }
0xac: {  	[dreg:$0x4] =	wrdreg $0xC0  }
0xad: {  	_ =	task [dreg:s9], $0x5FFFF  }
0xae: {  	[dreg:$0x1] =	wrdreg $0xFFFFFFFF  }
0xaf: {  	[dreg:$0x0] =	wrdreg $0x60  }
0xb0: {  	[dreg:$0x2] =	wrdreg s2  }
0xb1: {  	[dreg:$0x3] =	wrdreg s19  }
0xb2: {  	[dreg:$0x4] =	wrdreg s4  }
0xb3: {  	[dreg:$0x5] =	wrdreg $0x9  }
0xb4: {  	_ =	task.clear_ibuf [dreg:s9], $0x6FFFF;
	_ =	strace $0x90000046  }
0xb5: {  	s29 =	simm.s32 $0x9;
	_ =	strace $0x80000048  }
0xb6: {  	_ =	swait.ge [sflag:s29], $0x1  }
0xb7: {  	[sflag:s29] =	ssyncadd.s32 $0xFFFFFFFF  }
0xb8: {  	_ =	strace $0x90000048  }
0xb9: {  	_ =	sfence  }
0xba: {  	s30 =	sld [smem:$0x0];
	_ =	sdelay $0x2  }
0xbb: {  	s31 =	sshll.u32 s1, $0xD;
	s1 =	sshrl.u32 s1, $0x2  }
0xbc: {  	s3 =	sand.u32 $0x4000, s31;
	s1 =	sadd.s32 s1, s30  }
0xbd: {  	s0 =	sor.u32 s3, s0;
	s1 =	sshll.u32 s1, $0x11  }
0xbe: {  	s0 =	sor.u32 s1, s0  }
0xbf: {  	s0 =	sadd.s32 $0x8F2B, s0  }
0xc0: {  	[sflag:s0] =	ssyncadd.remote.s32 $0x1  }
0xc1: {  	_ =	sfence.sel $0xFFFF  }
0xc2: {  	[dreg:$0x0] =	wrdreg $0xFFFFFFFF;
	(pc) =	sbr.abs _section_cstart, $3  }
0xc3: {  	[dreg:$0x1] =	wrdreg $0xFFFFFFFF  }
0xc4: {  	_ =	task.clear_ibuf [dreg:s9], $0x2FFFF;
	_ =	strace $0x9FFFFFFF  }
0xc5: {  	(tm) =	ssettm $0x7FFFFFFF  }
tec
execute0_lowered:
.L_overlay_start_1:
0x0: {  	(tag) =	ssettag $0x1  }
0x1: {  	s1 =	rddreg [dreg:$0x0]  }
0x2: {  	s4 =	rddreg [dreg:$0x1]  }
0x3: {  	s5 =	rddreg [dreg:$0x2]  }
0x4: {  	s0 =	rddreg [dreg:$0x3];
	s3 =	simm.s32 $0x0  }
0x5: {  	s6 =	srdreg.scid;
	s2 =	stileid.u32;
	s10 =	simm.s32 $0x500  }
0x6: {  	s11 =	simm.s32 $0x4;
	s12 =	simm.s32 $0x5;
	s13 =	simm.s32 $0x3  }
0x7: {  	s14 =	simm.s32 $0x0;
	[smem:$0x7FF] =	sst s3;
	s6 =	sand.u32 $0x1, s6  }
.Ltmp0:
0x8: {  	s7 =	sshll.u32 s2, $0x1;
	s8 =	ssub.s32 $0x2, s6;
	(pc) =	sbr.rel .LBB2_1-.Ltmp0, $4  }
0x9: {  	_ =	strace $0x80000047;
	s6 =	sor.u32 s6, s7;
	s31 =	sshrl.u32 s8, $0x1  }
0xa: {  	s9 =	sshll.u32 s6, $0x7;
	s6 =	sshll.u32 s6, $0xE;
	s7 =	ssub.s32 s8, s31  }
0xb: {  	s4 =	sadd.s32 s4, s9;
	s5 =	sadd.s32 s5, s6;
	s8 =	simm.s32 $0x1  }
0xc: {  	v0 =	vimm.s32 $0x0;
	s9 =	simm.s32 $0x2;
	s6 =	smax.u32 s7, $0x1;
	s7 =	simm.s32 $0x80  }
.LBB2_15:
0xd: {  	_ =	swait.ge [sflag:s11], $0x3800  }
0xe: {  	[sflag:s11] =	ssyncset.done $0x0  }
0xf: {  	s14 =	sadd.s32 $0x1, s14;
	[sflag:s11] =	ssyncadd.s32 $0xFFFFC800  }
0x10: {  	p0 =	sne.s32 s14, s6;
	_ =	swait.ge [sflag:s12], $0x3800  }
.Ltmp1:
0x11: {  	[sflag:s12] =	ssyncset.done $0x0;
	(pc) =	sbr.rel @!p0 .LBB2_16-.Ltmp1, $4  }
0x12: {  	[sflag:s12] =	ssyncadd.s32 $0xFFFFC800  }
0x13: {  	_ =	swait.ge [sflag:s13], $0x800  }
0x14: {  	[sflag:s13] =	ssyncset.done $0x0  }
0x15: {  	[sflag:s13] =	ssyncadd.s32 $0xFFFFF800  }
.LBB2_1:
0x16: {  	[tilespmem:s3], [sflag:$0x1] =	stream.linear.gather [hbm4b:s1+s3], $0x80, $0x38;
	[tilespmem:$0x7D00] =	vst v63  }
0x17: {  	_ = 	snop  }
0x18: {  	[tilespmem:s7], [sflag:$0x2] =	stream.linear.gather [hbm4b:s4+s3], $0x400, $0x38;
	[tilespmem:$0x7D00] =	vst v63  }
0x19: {  	_ =	swait.ge [sflag:s8], $0x80  }
0x1a: {  	[sflag:s8] =	ssyncset.done $0x0  }
0x1b: {  	[sflag:s8] =	ssyncadd.s32 $0xFFFFFF80  }
0x1c: {  	_ =	swait.ge [sflag:s9], $0x400  }
0x1d: {  	[sflag:s9] =	ssyncset.done $0x0  }
0x1e: {  	[sflag:s9] =	ssyncadd.s32 $0xFFFFFC00  }
0x1f: {  	v2 =	vld [tilespmem:$0x80];
	_ =	sdelay $0x4  }
0x20: {  	(v2sf) =	vpush v2, $0x0  }
0x21: {  	(v2sf) =	vpush v2, $0xF;
	_ =	sdelay $0xd  }
0x22: {  	s15 =	spop (v2sf)  }
0x23: {  	s16 =	spop (v2sf)  }
0x24: {  	p0 =	sne.s32 s15, s16  }
.Ltmp2:
0x25: {  	_ = 	snop;
	(pc) =	sbr.rel @p0 .LBB2_2-.Ltmp2, $2  }
0x26: {  	_ =	sdelay $0x2  }
0x27: {  	v1 =	vld [tilespmem:$0x0]  }
0x28: {  	_ =	sdelay $0x3  }
0x29: {  	v2 =	vperm.xlane v1, v2;
	_ =	sdelay $0x1  }
0x2a: {  	v2 =	vbroadcast v2, $0x0;
	_ =	sdelay $0x1  }
0x2b: {  	[tilespmem:$0x500] =	vst v2  }
0x2c: {  	[tilespmem:$0x510] =	vst v2  }
0x2d: {  	[tilespmem:$0x520] =	vst v2  }
0x2e: {  	[tilespmem:$0x530] =	vst v2  }
0x2f: {  	[tilespmem:$0x540] =	vst v2  }
0x30: {  	[tilespmem:$0x550] =	vst v2  }
0x31: {  	[tilespmem:$0x560] =	vst v2  }
0x32: {  	[tilespmem:$0x570] =	vst v2  }
0x33: {  	[tilespmem:$0x580] =	vst v2  }
0x34: {  	[tilespmem:$0x590] =	vst v2  }
0x35: {  	[tilespmem:$0x5A0] =	vst v2  }
0x36: {  	[tilespmem:$0x5B0] =	vst v2  }
0x37: {  	[tilespmem:$0x5C0] =	vst v2  }
0x38: {  	[tilespmem:$0x5D0] =	vst v2  }
0x39: {  	[tilespmem:$0x5E0] =	vst v2  }
0x3a: {  	[tilespmem:$0x5F0] =	vst v2  }
0x3b: {  	[tilespmem:$0x600] =	vst v2  }
0x3c: {  	[tilespmem:$0x610] =	vst v2  }
0x3d: {  	[tilespmem:$0x620] =	vst v2  }
0x3e: {  	[tilespmem:$0x630] =	vst v2  }
0x3f: {  	[tilespmem:$0x640] =	vst v2  }
0x40: {  	[tilespmem:$0x650] =	vst v2  }
0x41: {  	[tilespmem:$0x660] =	vst v2  }
0x42: {  	[tilespmem:$0x670] =	vst v2  }
0x43: {  	[tilespmem:$0x680] =	vst v2  }
0x44: {  	[tilespmem:$0x690] =	vst v2  }
0x45: {  	[tilespmem:$0x6A0] =	vst v2  }
0x46: {  	[tilespmem:$0x6B0] =	vst v2  }
0x47: {  	[tilespmem:$0x6C0] =	vst v2  }
0x48: {  	[tilespmem:$0x6D0] =	vst v2  }
0x49: {  	[tilespmem:$0x6E0] =	vst v2  }
0x4a: {  	[tilespmem:$0x6F0] =	vst v2  }
0x4b: {  	[tilespmem:$0x700] =	vst v2  }
0x4c: {  	[tilespmem:$0x710] =	vst v2  }
0x4d: {  	[tilespmem:$0x720] =	vst v2  }
0x4e: {  	[tilespmem:$0x730] =	vst v2  }
0x4f: {  	[tilespmem:$0x740] =	vst v2  }
0x50: {  	[tilespmem:$0x750] =	vst v2  }
0x51: {  	[tilespmem:$0x760] =	vst v2  }
0x52: {  	[tilespmem:$0x770] =	vst v2  }
0x53: {  	[tilespmem:$0x780] =	vst v2  }
0x54: {  	[tilespmem:$0x790] =	vst v2  }
0x55: {  	[tilespmem:$0x7A0] =	vst v2  }
0x56: {  	[tilespmem:$0x7B0] =	vst v2  }
0x57: {  	[tilespmem:$0x7C0] =	vst v2  }
0x58: {  	[tilespmem:$0x7D0] =	vst v2  }
0x59: {  	[tilespmem:$0x7E0] =	vst v2  }
0x5a: {  	[tilespmem:$0x7F0] =	vst v2  }
0x5b: {  	[tilespmem:$0x800] =	vst v2  }
0x5c: {  	[tilespmem:$0x810] =	vst v2  }
0x5d: {  	[tilespmem:$0x820] =	vst v2  }
0x5e: {  	[tilespmem:$0x830] =	vst v2  }
0x5f: {  	[tilespmem:$0x840] =	vst v2  }
0x60: {  	[tilespmem:$0x850] =	vst v2  }
0x61: {  	[tilespmem:$0x860] =	vst v2  }
0x62: {  	[tilespmem:$0x870] =	vst v2  }
0x63: {  	[tilespmem:$0x880] =	vst v2  }
0x64: {  	[tilespmem:$0x890] =	vst v2  }
0x65: {  	[tilespmem:$0x8A0] =	vst v2  }
0x66: {  	[tilespmem:$0x8B0] =	vst v2  }
0x67: {  	[tilespmem:$0x8C0] =	vst v2  }
0x68: {  	[tilespmem:$0x8D0] =	vst v2  }
0x69: {  	[tilespmem:$0x8E0] =	vst v2  }
0x6a: {  	[tilespmem:$0x8F0] =	vst v2  }
0x6b: {  	[tilespmem:$0x900] =	vst v2  }
0x6c: {  	[tilespmem:$0x910] =	vst v2  }
0x6d: {  	[tilespmem:$0x920] =	vst v2  }
0x6e: {  	[tilespmem:$0x930] =	vst v2  }
0x6f: {  	[tilespmem:$0x940] =	vst v2  }
0x70: {  	[tilespmem:$0x950] =	vst v2  }
0x71: {  	[tilespmem:$0x960] =	vst v2  }
0x72: {  	[tilespmem:$0x970] =	vst v2  }
0x73: {  	[tilespmem:$0x980] =	vst v2  }
0x74: {  	[tilespmem:$0x990] =	vst v2  }
0x75: {  	[tilespmem:$0x9A0] =	vst v2  }
0x76: {  	[tilespmem:$0x9B0] =	vst v2  }
0x77: {  	[tilespmem:$0x9C0] =	vst v2  }
0x78: {  	[tilespmem:$0x9D0] =	vst v2  }
0x79: {  	[tilespmem:$0x9E0] =	vst v2  }
0x7a: {  	[tilespmem:$0x9F0] =	vst v2  }
0x7b: {  	[tilespmem:$0xA00] =	vst v2  }
0x7c: {  	[tilespmem:$0xA10] =	vst v2  }
0x7d: {  	[tilespmem:$0xA20] =	vst v2  }
0x7e: {  	[tilespmem:$0xA30] =	vst v2  }
0x7f: {  	[tilespmem:$0xA40] =	vst v2  }
0x80: {  	[tilespmem:$0xA50] =	vst v2  }
0x81: {  	[tilespmem:$0xA60] =	vst v2  }
0x82: {  	[tilespmem:$0xA70] =	vst v2  }
0x83: {  	[tilespmem:$0xA80] =	vst v2  }
0x84: {  	[tilespmem:$0xA90] =	vst v2  }
0x85: {  	[tilespmem:$0xAA0] =	vst v2  }
0x86: {  	[tilespmem:$0xAB0] =	vst v2  }
0x87: {  	[tilespmem:$0xAC0] =	vst v2  }
0x88: {  	[tilespmem:$0xAD0] =	vst v2  }
0x89: {  	[tilespmem:$0xAE0] =	vst v2  }
0x8a: {  	[tilespmem:$0xAF0] =	vst v2  }
0x8b: {  	[tilespmem:$0xB00] =	vst v2  }
0x8c: {  	[tilespmem:$0xB10] =	vst v2  }
0x8d: {  	[tilespmem:$0xB20] =	vst v2  }
0x8e: {  	[tilespmem:$0xB30] =	vst v2  }
0x8f: {  	[tilespmem:$0xB40] =	vst v2  }
0x90: {  	[tilespmem:$0xB50] =	vst v2  }
0x91: {  	[tilespmem:$0xB60] =	vst v2  }
0x92: {  	[tilespmem:$0xB70] =	vst v2  }
0x93: {  	[tilespmem:$0xB80] =	vst v2  }
0x94: {  	[tilespmem:$0xB90] =	vst v2  }
0x95: {  	[tilespmem:$0xBA0] =	vst v2  }
0x96: {  	[tilespmem:$0xBB0] =	vst v2  }
0x97: {  	[tilespmem:$0xBC0] =	vst v2  }
0x98: {  	[tilespmem:$0xBD0] =	vst v2  }
0x99: {  	[tilespmem:$0xBE0] =	vst v2  }
0x9a: {  	[tilespmem:$0xBF0] =	vst v2  }
0x9b: {  	[tilespmem:$0xC00] =	vst v2  }
0x9c: {  	[tilespmem:$0xC10] =	vst v2  }
0x9d: {  	[tilespmem:$0xC20] =	vst v2  }
0x9e: {  	[tilespmem:$0xC30] =	vst v2  }
0x9f: {  	[tilespmem:$0xC40] =	vst v2  }
0xa0: {  	[tilespmem:$0xC50] =	vst v2  }
0xa1: {  	[tilespmem:$0xC60] =	vst v2  }
0xa2: {  	[tilespmem:$0xC70] =	vst v2  }
0xa3: {  	[tilespmem:$0xC80] =	vst v2  }
0xa4: {  	[tilespmem:$0xC90] =	vst v2  }
0xa5: {  	[tilespmem:$0xCA0] =	vst v2  }
.Ltmp3:
0xa6: {  	[tilespmem:$0xCB0] =	vst v2;
	(pc) =	sbr.rel .LBB2_5-.Ltmp3, $4  }
0xa7: {  	[tilespmem:$0xCC0] =	vst v2  }
0xa8: {  	[tilespmem:$0xCD0] =	vst v2  }
0xa9: {  	[tilespmem:$0xCE0] =	vst v2  }
0xaa: {  	[tilespmem:$0xCF0] =	vst v2  }
.LBB2_2:
0xab: {  	s15 =	simm.s32 $0x81  }
0xac: {  	v2 =	vld [tilespmem:s15+$0xFFFFFFFF];
	_ =	sdelay $0x4  }
0xad: {  	v2 =	vperm.xlane v2, v0;
	_ =	sdelay $0x1  }
0xae: {  	v2 =	vperm.xlane v1, v2  }
0xaf: {  	s16 =	simm.s32 $0x580  }
0xb0: {  	[tilespmem:s16+$0xFFFFFFF0] =	vst v2  }
0xb1: {  	[tilespmem:s16+$0xFFFFFFD0] =	vst v2  }
0xb2: {  	[tilespmem:s16+$0xFFFFFFE0] =	vst v2  }
0xb3: {  	[tilespmem:s16+$0xFFFFFFC0] =	vst v2  }
0xb4: {  	[tilespmem:s16+$0xFFFFFFB0] =	vst v2  }
0xb5: {  	[tilespmem:s16+$0xFFFFFFA0] =	vst v2  }
0xb6: {  	[tilespmem:s16+$0xFFFFFF80] =	vst v2  }
0xb7: {  	[tilespmem:s16+$0xFFFFFF90] =	vst v2  }
0xb8: {  	s18 =	simm.s32 $0x0;
	s17 =	simm.s32 $0x580;
	v2 =	vld [tilespmem:s15+$0x0]  }
.LBB2_3:
0xb9: {  	_ = 	snop  }
0xba: {  	s18 =	sadd.s32 $0x2, s18;
	s15 =	sadd.s32 $0x2, s15;
	s16 =	sadd.s32 $0x100, s16  }
0xbb: {  	p0 =	slt.u32 s18, $0xE;
	_ =	sdelay $0x1  }
0xbc: {  	v2 =	vperm.xlane v2, v0;
	_ =	sdelay $0x1  }
0xbd: {  	v2 =	vperm.xlane v1, v2;
	_ =	sdelay $0x1  }
0xbe: {  	[tilespmem:s17+$0x0] =	vst v2  }
0xbf: {  	[tilespmem:s17+$0x10] =	vst v2  }
0xc0: {  	[tilespmem:s17+$0x70] =	vst v2  }
0xc1: {  	[tilespmem:s17+$0x60] =	vst v2  }
0xc2: {  	[tilespmem:s17+$0x30] =	vst v2  }
0xc3: {  	[tilespmem:s17+$0x40] =	vst v2  }
0xc4: {  	[tilespmem:s17+$0x20] =	vst v2  }
0xc5: {  	[tilespmem:s17+$0x50] =	vst v2;
	s17 =	smov.u32 s16  }
0xc6: {  	v2 =	vld [tilespmem:s15+$0xFFFFFFFF];
	_ =	sdelay $0x4  }
0xc7: {  	v2 =	vperm.xlane v2, v0;
	_ =	sdelay $0x1  }
0xc8: {  	v2 =	vperm.xlane v1, v2;
	_ =	sdelay $0x1  }
0xc9: {  	[tilespmem:s16+$0xFFFFFFF0] =	vst v2  }
0xca: {  	[tilespmem:s16+$0xFFFFFFD0] =	vst v2  }
0xcb: {  	[tilespmem:s16+$0xFFFFFFE0] =	vst v2  }
0xcc: {  	[tilespmem:s16+$0xFFFFFFC0] =	vst v2  }
.Ltmp4:
0xcd: {  	[tilespmem:s16+$0xFFFFFFB0] =	vst v2;
	(pc) =	sbr.rel @p0 .LBB2_3-.Ltmp4, $4  }
0xce: {  	[tilespmem:s16+$0xFFFFFFA0] =	vst v2  }
0xcf: {  	[tilespmem:s16+$0xFFFFFF80] =	vst v2  }
0xd0: {  	[tilespmem:s16+$0xFFFFFF90] =	vst v2  }
0xd1: {  	v2 =	vld [tilespmem:s15+$0x0]  }
0xd2: {  	_ =	sdelay $0x3  }
0xd3: {  	v2 =	vperm.xlane v2, v0;
	_ =	sdelay $0x1  }
0xd4: {  	v2 =	vperm.xlane v1, v2;
	_ =	sdelay $0x1  }
0xd5: {  	[tilespmem:s17+$0x0] =	vst v2  }
0xd6: {  	[tilespmem:s17+$0x10] =	vst v2  }
0xd7: {  	[tilespmem:s17+$0x70] =	vst v2  }
0xd8: {  	[tilespmem:s17+$0x60] =	vst v2  }
0xd9: {  	[tilespmem:s17+$0x30] =	vst v2  }
0xda: {  	[tilespmem:s17+$0x40] =	vst v2  }
0xdb: {  	[tilespmem:s17+$0x20] =	vst v2  }
0xdc: {  	[tilespmem:s17+$0x50] =	vst v2  }
.LBB2_5:
.Ltmp5:
0xdd: {  	(pc) =	sbr.rel .LBB2_6-.Ltmp5, $4  }
0xde: {  	s15 =	simm.s32 $0x0  }
0xdf: {  	s17 =	simm.f32 $0.0e+00;
	p2 =	por $0x0, $0x0;
	s16 =	simm.s32 $0x91  }
0xe0: {  	p0 =	por $0x0, $0x0;
	p1 =	por $0x0, $0x0;
	s18 =	simm.f32 $0.0e+00  }
0xe1: {  	[hbm4b:s5+s15] =	stream.linear.scatter [tilespmem:s10], [sflag:$0x3], $0x800, $0x38;
	[tilespmem:$0x7D00] =	vst v63  }
.LBB2_14:
0xe2: {  	s18 =	smov.u32 @p3 s19;
	p1 =	por @!p3 p4, p4;
	s15 =	sadd.s32 $0x1, s15  }
0xe3: {  	p4 =	por @!p3 p2, p2;
	s19 =	smov.u32 @p3 s17;
	p3 =	sne.s32 s15, $0x9  }
.Ltmp6:
0xe4: {  	s20 =	sadd.s32 $0x10, s20;
	(pc) =	sbr.rel @!p3 .LBB2_15-.Ltmp6, $4  }
0xe5: {  	s22 =	smul.u32 $0x3800, s21;
	s31 =	sor.u32 $0x4, s21;
	p0 =	por !p0, !p0  }
0xe6: {  	s16 =	sadd.s32 $0x70, s16;
	s20 =	sshll.u32 s20, $0x4;
	s17 =	smov.u32 s19  }
0xe7: {  	p2 =	por p4, p4;
	s20 =	sadd.s32 s20, s5;
	s22 =	sadd.s32 $0xD00, s22  }
0xe8: {  	[hbm4b:s20+s3] =	stream.linear.scatter [tilespmem:s22], [sflag:s31], $0x3800, $0x38;
	[tilespmem:$0x7D00] =	vst v63  }
.LBB2_6:
0xe9: {  	s20 =	smul.u32 $0x70, s15;
	_ =	sdelay $0x1  }
0xea: {  	v2 =	vld [tilespmem:s20+$0x90]  }
0xeb: {  	v3 =	vld [tilespmem:s20+$0xF0];
	_ =	sdelay $0x3  }
0xec: {  	(v2sf) =	vpush v2, $0x0;
	v2 =	vperm.xlane v1, v2  }
0xed: {  	(v2sf) =	vpush v3, $0xF  }
0xee: {  	(v2sf) =	vpush v2, $0x0;
	_ =	sdelay $0xc  }
0xef: {  	s22 =	spop (v2sf)  }
0xf0: {  	s23 =	spop (v2sf)  }
0xf1: {  	s19 =	spop (v2sf)  }
0xf2: {  	p4 =	seq.f32 s19, s18;
	p5 =	seq.f32 s19, s17  }
0xf3: {  	_ = 	snop  }
0xf4: {  	s21 =	sand.u32 $0x1, s15;
	p4 =	por !p2, !p4;
	p5 =	por !p1, !p5  }
0xf5: {  	p3 =	seq.s32 s21, $0x0;
	p4 =	por !p4, !p4;
	p5 =	por !p5, !p5  }
0xf6: {  	p4 =	por @!p3 p5, p5  }
0xf7: {  	p5 =	sne.s32 s22, s23;
	p4 =	por !p4, !p4  }
0xf8: {  	p4 =	por p5, !p4  }
.Ltmp7:
0xf9: {  	s24 =	simm.s32 $0x1;
	p6 =	slt.u32 s15, $0x2;
	(pc) =	sbr.rel @p4 .LBB2_10-.Ltmp7, $4  }
0xfa: {  	s24 =	simm.s32 @!p0 $0x0;
	s25 =	sor.u32 @!p6 $0x4, s21  }
0xfb: {  	s24 =	smul.u32 $0xE000, s24;
	_ =	swait.ge @!p6 [sflag:s25], $0x3800  }
0xfc: {  	[sflag:s25] =	ssyncset.done @!p6 $0x0  }
0xfd: {  	s24 =	sshrl.u32 s24, $0x2;
	[sflag:s25] =	ssyncadd.s32 @!p6 $0xFFFFC800  }
0xfe: {  	v2 =	vbroadcast v2, $0x0  }
0xff: {  	s25 =	sadd.s32 $0xE00, s24  }
0x100: {  	[tilespmem:s25+$0xFFFFFF00] =	vst v2  }
0x101: {  	[tilespmem:s25+$0xF0] =	vst v2  }
0x102: {  	[tilespmem:s25+$0xE0] =	vst v2  }
0x103: {  	[tilespmem:s25+$0xD0] =	vst v2  }
0x104: {  	[tilespmem:s25+$0xC0] =	vst v2  }
0x105: {  	[tilespmem:s25+$0xB0] =	vst v2  }
0x106: {  	[tilespmem:s25+$0xA0] =	vst v2  }
0x107: {  	[tilespmem:s25+$0x90] =	vst v2  }
0x108: {  	[tilespmem:s25+$0x80] =	vst v2  }
0x109: {  	[tilespmem:s25+$0x70] =	vst v2  }
0x10a: {  	[tilespmem:s25+$0x60] =	vst v2  }
0x10b: {  	[tilespmem:s25+$0x50] =	vst v2  }
0x10c: {  	[tilespmem:s25+$0x40] =	vst v2  }
0x10d: {  	[tilespmem:s25+$0x30] =	vst v2  }
0x10e: {  	[tilespmem:s25+$0x20] =	vst v2  }
0x10f: {  	[tilespmem:s25+$0x10] =	vst v2  }
0x110: {  	[tilespmem:s25+$0x0] =	vst v2  }
0x111: {  	[tilespmem:s25+$0xFFFFFFF0] =	vst v2  }
0x112: {  	[tilespmem:s25+$0xFFFFFFE0] =	vst v2  }
0x113: {  	[tilespmem:s25+$0xFFFFFFD0] =	vst v2  }
0x114: {  	[tilespmem:s25+$0xFFFFFFC0] =	vst v2  }
0x115: {  	[tilespmem:s25+$0xFFFFFFB0] =	vst v2  }
0x116: {  	[tilespmem:s25+$0xFFFFFFA0] =	vst v2  }
0x117: {  	[tilespmem:s25+$0xFFFFFF90] =	vst v2  }
0x118: {  	[tilespmem:s25+$0xFFFFFF80] =	vst v2  }
0x119: {  	[tilespmem:s25+$0xFFFFFF70] =	vst v2  }
0x11a: {  	[tilespmem:s25+$0xFFFFFF60] =	vst v2  }
0x11b: {  	[tilespmem:s25+$0xFFFFFF50] =	vst v2  }
0x11c: {  	[tilespmem:s25+$0xFFFFFF40] =	vst v2  }
0x11d: {  	[tilespmem:s25+$0xFFFFFF30] =	vst v2  }
0x11e: {  	s26 =	simm.s32 $0x0;
	[tilespmem:s25+$0xFFFFFF20] =	vst v2  }
.LBB2_8:
0x11f: {  	s26 =	sadd.s32 $0x4, s26;
	[tilespmem:s25+$0xFFFFFF10] =	vst v2;
	s25 =	sadd.s32 $0x200, s25  }
0x120: {  	[tilespmem:s25+$0xFFFFFF00] =	vst v2;
	p4 =	slt.u32 s26, $0x6C  }
0x121: {  	[tilespmem:s25+$0xF0] =	vst v2  }
0x122: {  	[tilespmem:s25+$0xE0] =	vst v2  }
0x123: {  	[tilespmem:s25+$0xD0] =	vst v2  }
0x124: {  	[tilespmem:s25+$0xC0] =	vst v2  }
0x125: {  	[tilespmem:s25+$0xB0] =	vst v2  }
0x126: {  	[tilespmem:s25+$0xA0] =	vst v2  }
0x127: {  	[tilespmem:s25+$0x90] =	vst v2  }
0x128: {  	[tilespmem:s25+$0x80] =	vst v2  }
0x129: {  	[tilespmem:s25+$0x70] =	vst v2  }
0x12a: {  	[tilespmem:s25+$0x60] =	vst v2  }
0x12b: {  	[tilespmem:s25+$0x50] =	vst v2  }
0x12c: {  	[tilespmem:s25+$0x40] =	vst v2  }
0x12d: {  	[tilespmem:s25+$0x30] =	vst v2  }
0x12e: {  	[tilespmem:s25+$0x20] =	vst v2  }
0x12f: {  	[tilespmem:s25+$0x10] =	vst v2  }
0x130: {  	[tilespmem:s25+$0x0] =	vst v2  }
0x131: {  	[tilespmem:s25+$0xFFFFFFF0] =	vst v2  }
0x132: {  	[tilespmem:s25+$0xFFFFFFE0] =	vst v2  }
0x133: {  	[tilespmem:s25+$0xFFFFFFD0] =	vst v2  }
0x134: {  	[tilespmem:s25+$0xFFFFFFC0] =	vst v2  }
0x135: {  	[tilespmem:s25+$0xFFFFFFB0] =	vst v2  }
0x136: {  	[tilespmem:s25+$0xFFFFFFA0] =	vst v2  }
0x137: {  	[tilespmem:s25+$0xFFFFFF90] =	vst v2  }
0x138: {  	[tilespmem:s25+$0xFFFFFF80] =	vst v2  }
0x139: {  	[tilespmem:s25+$0xFFFFFF70] =	vst v2  }
.Ltmp8:
0x13a: {  	[tilespmem:s25+$0xFFFFFF60] =	vst v2;
	(pc) =	sbr.rel @p4 .LBB2_8-.Ltmp8, $4  }
0x13b: {  	[tilespmem:s25+$0xFFFFFF50] =	vst v2  }
0x13c: {  	[tilespmem:s25+$0xFFFFFF40] =	vst v2  }
0x13d: {  	[tilespmem:s25+$0xFFFFFF30] =	vst v2  }
0x13e: {  	[tilespmem:s25+$0xFFFFFF20] =	vst v2  }
0x13f: {  	[tilespmem:s25+$0xFFFFFF10] =	vst v2  }
.LBB2_10:
0x140: {  	p4 =	seq.s32 s22, s23  }
.Ltmp9:
0x141: {  	_ = 	snop;
	(pc) =	sbr.rel @p4 .LBB2_14-.Ltmp9, $1  }
0x142: {  	_ =	sdelay $0x3  }
0x143: {  	v2 =	vld [tilespmem:s16+$0xFFFFFFFF];
	_ =	sdelay $0x4  }
0x144: {  	v2 =	vperm.xlane v2, v0;
	_ =	sdelay $0x1  }
0x145: {  	v2 =	vperm.xlane v1, v2  }
0x146: {  	s22 =	sadd.s32 $0xD80, s24  }
0x147: {  	[tilespmem:s22+$0xFFFFFFF0] =	vst v2  }
0x148: {  	[tilespmem:s22+$0xFFFFFFD0] =	vst v2  }
0x149: {  	[tilespmem:s22+$0xFFFFFFE0] =	vst v2  }
0x14a: {  	[tilespmem:s22+$0xFFFFFFC0] =	vst v2  }
0x14b: {  	[tilespmem:s22+$0xFFFFFFB0] =	vst v2  }
0x14c: {  	[tilespmem:s22+$0xFFFFFFA0] =	vst v2  }
0x14d: {  	[tilespmem:s22+$0xFFFFFF80] =	vst v2  }
0x14e: {  	[tilespmem:s22+$0xFFFFFF90] =	vst v2  }
0x14f: {  	s24 =	simm.s32 $0x0;
	s25 =	smov.u32 s16;
	s23 =	smov.u32 s22;
	v2 =	vld [tilespmem:s16+$0x0]  }
.LBB2_12:
0x150: {  	_ = 	snop  }
0x151: {  	s24 =	sadd.s32 $0x2, s24;
	s25 =	sadd.s32 $0x2, s25;
	s22 =	sadd.s32 $0x100, s22  }
0x152: {  	p5 =	slt.u32 s24, $0x6E;
	_ =	sdelay $0x1  }
0x153: {  	v2 =	vperm.xlane v2, v0;
	_ =	sdelay $0x1  }
0x154: {  	v2 =	vperm.xlane v1, v2;
	_ =	sdelay $0x1  }
0x155: {  	[tilespmem:s23+$0x0] =	vst v2  }
0x156: {  	[tilespmem:s23+$0x10] =	vst v2  }
0x157: {  	[tilespmem:s23+$0x70] =	vst v2  }
0x158: {  	[tilespmem:s23+$0x60] =	vst v2  }
0x159: {  	[tilespmem:s23+$0x30] =	vst v2  }
0x15a: {  	[tilespmem:s23+$0x40] =	vst v2  }
0x15b: {  	[tilespmem:s23+$0x20] =	vst v2  }
0x15c: {  	[tilespmem:s23+$0x50] =	vst v2;
	s23 =	smov.u32 s22  }
0x15d: {  	v2 =	vld [tilespmem:s25+$0xFFFFFFFF];
	_ =	sdelay $0x4  }
0x15e: {  	v2 =	vperm.xlane v2, v0;
	_ =	sdelay $0x1  }
0x15f: {  	v2 =	vperm.xlane v1, v2;
	_ =	sdelay $0x1  }
0x160: {  	[tilespmem:s22+$0xFFFFFFF0] =	vst v2  }
0x161: {  	[tilespmem:s22+$0xFFFFFFD0] =	vst v2  }
0x162: {  	[tilespmem:s22+$0xFFFFFFE0] =	vst v2  }
0x163: {  	[tilespmem:s22+$0xFFFFFFC0] =	vst v2  }
.Ltmp10:
0x164: {  	[tilespmem:s22+$0xFFFFFFB0] =	vst v2;
	(pc) =	sbr.rel @p5 .LBB2_12-.Ltmp10, $4  }
0x165: {  	[tilespmem:s22+$0xFFFFFFA0] =	vst v2  }
0x166: {  	[tilespmem:s22+$0xFFFFFF80] =	vst v2  }
0x167: {  	[tilespmem:s22+$0xFFFFFF90] =	vst v2  }
0x168: {  	v2 =	vld [tilespmem:s25+$0x0]  }
0x169: {  	_ =	sdelay $0x3  }
0x16a: {  	v2 =	vperm.xlane v2, v0;
	_ =	sdelay $0x1  }
0x16b: {  	v2 =	vperm.xlane v1, v2;
	_ =	sdelay $0x1  }
0x16c: {  	[tilespmem:s23+$0x0] =	vst v2  }
0x16d: {  	[tilespmem:s23+$0x10] =	vst v2  }
0x16e: {  	[tilespmem:s23+$0x70] =	vst v2  }
.Ltmp11:
0x16f: {  	[tilespmem:s23+$0x60] =	vst v2;
	(pc) =	sbr.rel .LBB2_14-.Ltmp11, $4  }
0x170: {  	[tilespmem:s23+$0x30] =	vst v2  }
0x171: {  	[tilespmem:s23+$0x40] =	vst v2  }
0x172: {  	[tilespmem:s23+$0x20] =	vst v2  }
0x173: {  	[tilespmem:s23+$0x50] =	vst v2  }
.LBB2_16:
0x174: {  	_ =	sfence.sel $0x180000  }
0x175: {  	[bflag:$0x0] =	sbarrier.arrive $0xFFFF  }
0x176: {  	p0 =	sne.s32 s2, $0x0;
	_ =	strace $0x90000047  }
0x177: {  	s0 =	sadd.s32 @!p0 $0x100000, s0;
	[bflag:$0x2] =	sbarrier.arrive $0xFFFF  }
0x178: {  	[sflag:s0] =	ssyncadd.tile.s32 @!p0 $0x1;
	_ =	shalt  }
.Lfunc_end2:
_tile_overlayer_lowered:
.L_overlay_start_2:
0x179: {  	(tag) =	ssettag $0x2  }
0x17a: {  	s0 =	rddreg [dreg:$0x0];
	s2 =	stileid.u32  }
0x17b: {  	s1 =	rddreg [dreg:$0x1];
	p0 =	sne.s32 s2, $0x0  }
0x17c: {  	s3 =	rddreg [dreg:$0x2];
	[bflag:$0x3] =	sbarrier.arrive $0xFFFF;
	s2 =	simm.s32 @!p0 $0x1C06  }
0x17d: {  	[timem:s3], [sflag:s2] =	dma.local @!p0 [hbm:s0], s1  }
0x17e: {  	s0 =	simm.s32 @!p0 $0x6  }
0x17f: {  	_ =	swait.ge @!p0 [sflag:s0], s1  }
0x180: {  	s1 =	ssub.s32 @!p0 $0x0, s1;
	[sflag:s0] =	ssyncset.done @!p0 $0x0  }
0x181: {  	[sflag:s0] =	ssyncadd.s32 @!p0 s1  }
0x182: {  	[bflag:$0x3] =	sbarrier.arrive $0xFFFF  }
0x183: {  	_ =	shalt  }

</sc_bundles>
